<compile_context>
chip_gen: v7x
topology: tpu7x:2x2x1
jax: 0.10.2.dev20260603
libtpu: 0.0.44.dev20260713+nightly
codegen_flags: <defaults>
</compile_context>

<pallas_src>
import functools

import jax
import jax.numpy as jnp
from jax import lax
from jax.experimental import pallas as pl
from jax.experimental.pallas import tpu as pltpu
from jax.experimental.pallas import tpu_sc as plsc

_L = 16


def _make_sc_kernel(B, S, C, n_workers, rows_per_worker):
    full_chunks = C // _L
    tail = C - full_chunks * _L
    C_pad = C if tail == 0 else (full_chunks + 1) * _L
    n_len_chunks = B // _L

    mesh = plsc.VectorSubcoreMesh(core_axis_name="c", subcore_axis_name="s")

    @functools.partial(
        pl.kernel,
        out_type=jax.ShapeDtypeStruct((B, C), jnp.float32),
        mesh=mesh,
        scratch_types=[
            pltpu.VMEM((B,), jnp.int32),
            pltpu.VMEM((B,), jnp.int32),
            pltpu.VMEM((rows_per_worker, C), jnp.float32),
            pltpu.VMEM((rows_per_worker, C_pad), jnp.float32),
            pltpu.VMEM((C,), jnp.float32),
            pltpu.VMEM((C,), jnp.float32),
            pltpu.SemaphoreType.DMA,
        ],
        compiler_params=pltpu.CompilerParams(use_tc_tiling_on_sc=False),
    )
    def sc_kernel(x_hbm, len_hbm, gamma_hbm, beta_hbm, out_hbm,
                  len_v, idx_v, rows_v, out_v, gam_v, bet_v, sem):
        wid = lax.axis_index("s") * 2 + lax.axis_index("c")

        @pl.when(wid < n_workers)
        def _():
            pltpu.sync_copy(len_hbm, len_v)
            pltpu.sync_copy(gamma_hbm.at[0], gam_v)
            pltpu.sync_copy(beta_hbm.at[0], bet_v)

            lane = jax.lax.iota(jnp.int32, _L)
            for k in range(n_len_chunks):
                lv = len_v[pl.ds(k * _L, _L)]
                seq_row = lax.rem(lv + (S - 1), S)
                idx_v[pl.ds(k * _L, _L)] = seq_row + (lane + k * _L) * S

            base = wid * rows_per_worker
            pltpu.async_copy(
                x_hbm.at[idx_v.at[pl.ds(base, rows_per_worker)]],
                rows_v, sem,
            ).wait()

            for r in range(rows_per_worker):
                def chunk(i, _):
                    v = rows_v[r, pl.ds(i * _L, _L)]
                    g = gam_v[pl.ds(i * _L, _L)]
                    bta = bet_v[pl.ds(i * _L, _L)]
                    out_v[r, pl.ds(i * _L, _L)] = v * g + bta
                    return 0
                lax.fori_loop(0, full_chunks, chunk, 0, unroll=False)
                if tail:
                    off = C - _L
                    v = rows_v[r, pl.ds(off, _L)]
                    g = gam_v[pl.ds(off, _L)]
                    bta = bet_v[pl.ds(off, _L)]
                    out_v[r, pl.ds(off, _L)] = v * g + bta

            for r in range(rows_per_worker):
                pltpu.sync_copy(out_v.at[r, pl.ds(0, C)],
                                out_hbm.at[base + r])

    return sc_kernel


@jax.jit
def kernel(x, length, gamma, beta):
    B, S, C = x.shape
    n_workers = 8
    rows_per_worker = B // n_workers
    sc = _make_sc_kernel(B, S, C, n_workers, rows_per_worker)
    out = sc(x.reshape(B * S, C), length.astype(jnp.int32), gamma, beta)
    return out[:, None, :]

# --- scband reference (transcript-rebuilt; emitter-appended) ---
"""Pipeline reference for scband-next-token-predictor-59081570124984 (READ-ONLY COPY).

The authoritative reference and input builder live on the scoring server;
editing this copy changes nothing except your own understanding.
"""

import jax, jax.numpy as jnp
import numpy as np

B, S, C = 64, 2048, 1000

def setup_inputs(seed: int = 0) -> dict:
    key = jax.random.key(seed)
    k1, k2, k3, k4 = jax.random.split(key, 4)
    x = jax.random.normal(k1, (B, S, C), dtype=jnp.float32)
    length = jax.random.randint(k2, (B,), 0, S, dtype=jnp.int64 if jax.config.jax_enable_x64 else jnp.int32)
    gamma = jax.random.uniform(k3, (1, C), minval=0.5, maxval=1.5, dtype=jnp.float32)
    beta = jax.random.uniform(k4, (1, C), minval=-0.1, maxval=0.1, dtype=jnp.float32)
    return {"x": x, "length": length, "gamma": gamma, "beta": beta}

def reference(x, length, gamma, beta):
    b, s, c = x.shape
    # torch allows negative indices (length==0 -> index -1 -> last row); emulate with modulo
    idx = (length - 1) % s
    last_logits = x[jnp.arange(b), idx]  # gather one row per batch element: [B, C]
    last_logits = last_logits * gamma + beta
    return last_logits[:, None, :]

if __name__ == "__main__":
    import jax
    _d = setup_inputs()
    print(jax.jit(kernel)(*tuple(_d.values())))

</pallas_src>

<mosaic_0001>
#map = affine_map<(d0, d1) -> (0, 0)>
#map1 = affine_map<(d0, d1) -> (0)>
module attributes {stable_mosaic.version = 14 : i64} {
  func.func @sc_kernel(%arg0: i32, %arg1: i32, %arg2: memref<131072x1000xf32, #tpu.memory_space<hbm>>, %arg3: memref<64xi32, #tpu.memory_space<hbm>>, %arg4: memref<1x1000xf32, #tpu.memory_space<hbm>>, %arg5: memref<1x1000xf32, #tpu.memory_space<hbm>>, %arg6: memref<64x1000xf32, #tpu.memory_space<hbm>>, %arg7: memref<64xi32, #tpu.memory_space<vmem>>, %arg8: memref<64xi32, #tpu.memory_space<vmem>>, %arg9: memref<8x1000xf32, #tpu.memory_space<vmem>>, %arg10: memref<8x1008xf32, #tpu.memory_space<vmem>>, %arg11: memref<1000xf32, #tpu.memory_space<vmem>>, %arg12: memref<1000xf32, #tpu.memory_space<vmem>>, %arg13: memref<!tpu.dma_semaphore, #tpu.memory_space<semaphore_mem>>) attributes {dimension_semantics = [#tpu.dimension_semantics<core_parallel>, #tpu.dimension_semantics<subcore_parallel>], iteration_bounds = array<i64: 2, 16>, scalar_prefetch = 0 : i64, scratch_operands = 7 : i64, tpu.core_type = #tpu.core_type<sc_vector_subcore>, window_params = [{transform_indices = #map}, {transform_indices = #map1}, {transform_indices = #map}, {transform_indices = #map}, {transform_indices = #map}]} {
    %mul3A = arith.constant 2 : i32
    %mul3A_0 = arith.muli %arg1, %mul3A : i32
    %add3A = arith.addi %mul3A_0, %arg0 : i32
    %lt3A = arith.constant 8 : i32
    %lt3A_1 = arith.cmpi slt, %add3A, %lt3A : i32
    %convert_element_type3A = arith.extui %lt3A_1 : i1 to i32
    %cond3A = arith.constant 0 : i32
    %cond3A_2 = arith.cmpi ne, %convert_element_type3A, %cond3A : i32
    scf.if %cond3A_2 {
      "tpu.region"() ({
        %run_scoped3A_320 = tpu.sem_alloc : memref<!tpu.dma_semaphore, #tpu.memory_space<semaphore_mem>>
        tpu.enqueue_dma source(%arg3 : memref<64xi32, #tpu.memory_space<hbm>>) target(%arg7 : memref<64xi32, #tpu.memory_space<vmem>>) target_semaphore(%run_scoped3A_320 : memref<!tpu.dma_semaphore, #tpu.memory_space<semaphore_mem>>)
        tpu.wait_dma2 semaphore(%run_scoped3A_320 : memref<!tpu.dma_semaphore, #tpu.memory_space<semaphore_mem>>) src(%arg3 : memref<64xi32, #tpu.memory_space<hbm>>) dst(%arg7 : memref<64xi32, #tpu.memory_space<vmem>>)
        tpu.yield
      }) : () -> ()
      %run_scoped3A = arith.constant 0 : i32
      "tpu.region"() ({
        %run_scoped3A_320 = tpu.sem_alloc : memref<!tpu.dma_semaphore, #tpu.memory_space<semaphore_mem>>
        %dma_start3A_321 = arith.constant 0 : i32
        %dma_start3A_322 = tpu.memref_slice %arg4[%run_scoped3A, %dma_start3A_321] : memref<1x1000xf32, #tpu.memory_space<hbm>> -> memref<1x1000xf32, #tpu.memory_space<hbm>>
        %dma_start3A_323 = tpu.memref_squeeze %dma_start3A_322 : memref<1x1000xf32, #tpu.memory_space<hbm>> -> memref<1000xf32, #tpu.memory_space<hbm>>
        %dma_start3A_324 = arith.constant 0 : i32
        %dma_start3A_325 = tpu.memref_slice %arg4[%run_scoped3A, %dma_start3A_324] : memref<1x1000xf32, #tpu.memory_space<hbm>> -> memref<1x1000xf32, #tpu.memory_space<hbm>>
        %dma_start3A_326 = tpu.memref_squeeze %dma_start3A_325 : memref<1x1000xf32, #tpu.memory_space<hbm>> -> memref<1000xf32, #tpu.memory_space<hbm>>
        tpu.enqueue_dma source(%dma_start3A_326 : memref<1000xf32, #tpu.memory_space<hbm>>) target(%arg11 : memref<1000xf32, #tpu.memory_space<vmem>>) target_semaphore(%run_scoped3A_320 : memref<!tpu.dma_semaphore, #tpu.memory_space<semaphore_mem>>)
        %dma_wait3A_327 = arith.constant 0 : i32
        %dma_wait3A_328 = tpu.memref_slice %arg4[%run_scoped3A, %dma_wait3A_327] : memref<1x1000xf32, #tpu.memory_space<hbm>> -> memref<1x1000xf32, #tpu.memory_space<hbm>>
        %dma_wait3A_329 = tpu.memref_squeeze %dma_wait3A_328 : memref<1x1000xf32, #tpu.memory_space<hbm>> -> memref<1000xf32, #tpu.memory_space<hbm>>
        %dma_wait3A_330 = arith.constant 0 : i32
        %dma_wait3A_331 = tpu.memref_slice %arg4[%run_scoped3A, %dma_wait3A_330] : memref<1x1000xf32, #tpu.memory_space<hbm>> -> memref<1x1000xf32, #tpu.memory_space<hbm>>
        %dma_wait3A_332 = tpu.memref_squeeze %dma_wait3A_331 : memref<1x1000xf32, #tpu.memory_space<hbm>> -> memref<1000xf32, #tpu.memory_space<hbm>>
        tpu.wait_dma2 semaphore(%run_scoped3A_320 : memref<!tpu.dma_semaphore, #tpu.memory_space<semaphore_mem>>) src(%dma_wait3A_332 : memref<1000xf32, #tpu.memory_space<hbm>>) dst(%arg11 : memref<1000xf32, #tpu.memory_space<vmem>>)
        tpu.yield
      }) : () -> ()
      %run_scoped3A_3 = arith.constant 0 : i32
      "tpu.region"() ({
        %run_scoped3A_320 = tpu.sem_alloc : memref<!tpu.dma_semaphore, #tpu.memory_space<semaphore_mem>>
        %dma_start3A_321 = arith.constant 0 : i32
        %dma_start3A_322 = tpu.memref_slice %arg5[%run_scoped3A_3, %dma_start3A_321] : memref<1x1000xf32, #tpu.memory_space<hbm>> -> memref<1x1000xf32, #tpu.memory_space<hbm>>
        %dma_start3A_323 = tpu.memref_squeeze %dma_start3A_322 : memref<1x1000xf32, #tpu.memory_space<hbm>> -> memref<1000xf32, #tpu.memory_space<hbm>>
        %dma_start3A_324 = arith.constant 0 : i32
        %dma_start3A_325 = tpu.memref_slice %arg5[%run_scoped3A_3, %dma_start3A_324] : memref<1x1000xf32, #tpu.memory_space<hbm>> -> memref<1x1000xf32, #tpu.memory_space<hbm>>
        %dma_start3A_326 = tpu.memref_squeeze %dma_start3A_325 : memref<1x1000xf32, #tpu.memory_space<hbm>> -> memref<1000xf32, #tpu.memory_space<hbm>>
        tpu.enqueue_dma source(%dma_start3A_326 : memref<1000xf32, #tpu.memory_space<hbm>>) target(%arg12 : memref<1000xf32, #tpu.memory_space<vmem>>) target_semaphore(%run_scoped3A_320 : memref<!tpu.dma_semaphore, #tpu.memory_space<semaphore_mem>>)
        %dma_wait3A_327 = arith.constant 0 : i32
        %dma_wait3A_328 = tpu.memref_slice %arg5[%run_scoped3A_3, %dma_wait3A_327] : memref<1x1000xf32, #tpu.memory_space<hbm>> -> memref<1x1000xf32, #tpu.memory_space<hbm>>
        %dma_wait3A_329 = tpu.memref_squeeze %dma_wait3A_328 : memref<1x1000xf32, #tpu.memory_space<hbm>> -> memref<1000xf32, #tpu.memory_space<hbm>>
        %dma_wait3A_330 = arith.constant 0 : i32
        %dma_wait3A_331 = tpu.memref_slice %arg5[%run_scoped3A_3, %dma_wait3A_330] : memref<1x1000xf32, #tpu.memory_space<hbm>> -> memref<1x1000xf32, #tpu.memory_space<hbm>>
        %dma_wait3A_332 = tpu.memref_squeeze %dma_wait3A_331 : memref<1x1000xf32, #tpu.memory_space<hbm>> -> memref<1000xf32, #tpu.memory_space<hbm>>
        tpu.wait_dma2 semaphore(%run_scoped3A_320 : memref<!tpu.dma_semaphore, #tpu.memory_space<semaphore_mem>>) src(%dma_wait3A_332 : memref<1000xf32, #tpu.memory_space<hbm>>) dst(%arg12 : memref<1000xf32, #tpu.memory_space<vmem>>)
        tpu.yield
      }) : () -> ()
      %iota3A = tpu.iota {dimensions = array<i32: 0>} : vector<16xi32>
      %get3A = arith.constant 0 : index
      %get3A_4 = tpu.vector_load %arg7[%get3A] {strides = array<i32>} : memref<64xi32, #tpu.memory_space<vmem>>, vector<16xi32>,
      %get3A_5 = vector.shape_cast %get3A_4 : vector<16xi32> to vector<16xi32>
      %add3A_6 = arith.constant 2047 : i32
      %add3A_7 = vector.broadcast %add3A_6 : i32 to vector<16xi32>
      %add3A_8 = arith.addi %get3A_5, %add3A_7 : vector<16xi32>
      %rem3A = arith.constant 2048 : i32
      %rem3A_9 = vector.broadcast %rem3A : i32 to vector<16xi32>
      %rem3A_10 = arith.remsi %add3A_8, %rem3A_9 : vector<16xi32>
      %add3A_11 = arith.constant 0 : i32
      %add3A_12 = vector.broadcast %add3A_11 : i32 to vector<16xi32>
      %add3A_13 = arith.addi %iota3A, %add3A_12 : vector<16xi32>
      %mul3A_14 = arith.constant 2048 : i32
      %mul3A_15 = vector.broadcast %mul3A_14 : i32 to vector<16xi32>
      %mul3A_16 = arith.muli %add3A_13, %mul3A_15 : vector<16xi32>
      %add3A_17 = arith.addi %rem3A_10, %mul3A_16 : vector<16xi32>
      %swap3A = arith.constant 0 : index
      %swap3A_18 = tpu.vector_load %arg8[%swap3A] {strides = array<i32>} : memref<64xi32, #tpu.memory_space<vmem>>, vector<16xi32>,
      %swap3A_19 = vector.shape_cast %swap3A_18 : vector<16xi32> to vector<16xi32>
      %swap3A_20 = vector.shape_cast %add3A_17 : vector<16xi32> to vector<16xi32>
      tpu.vector_store %arg8[%swap3A], %swap3A_20 {strides = array<i32>} : memref<64xi32, #tpu.memory_space<vmem>>, vector<16xi32>,
      %get3A_21 = arith.constant 16 : index
      %get3A_22 = tpu.vector_load %arg7[%get3A_21] {strides = array<i32>} : memref<64xi32, #tpu.memory_space<vmem>>, vector<16xi32>,
      %get3A_23 = vector.shape_cast %get3A_22 : vector<16xi32> to vector<16xi32>
      %add3A_24 = arith.constant 2047 : i32
      %add3A_25 = vector.broadcast %add3A_24 : i32 to vector<16xi32>
      %add3A_26 = arith.addi %get3A_23, %add3A_25 : vector<16xi32>
      %rem3A_27 = arith.constant 2048 : i32
      %rem3A_28 = vector.broadcast %rem3A_27 : i32 to vector<16xi32>
      %rem3A_29 = arith.remsi %add3A_26, %rem3A_28 : vector<16xi32>
      %add3A_30 = arith.constant 16 : i32
      %add3A_31 = vector.broadcast %add3A_30 : i32 to vector<16xi32>
      %add3A_32 = arith.addi %iota3A, %add3A_31 : vector<16xi32>
      %mul3A_33 = arith.constant 2048 : i32
      %mul3A_34 = vector.broadcast %mul3A_33 : i32 to vector<16xi32>
      %mul3A_35 = arith.muli %add3A_32, %mul3A_34 : vector<16xi32>
      %add3A_36 = arith.addi %rem3A_29, %mul3A_35 : vector<16xi32>
      %swap3A_37 = arith.constant 16 : index
      %swap3A_38 = tpu.vector_load %arg8[%swap3A_37] {strides = array<i32>} : memref<64xi32, #tpu.memory_space<vmem>>, vector<16xi32>,
      %swap3A_39 = vector.shape_cast %swap3A_38 : vector<16xi32> to vector<16xi32>
      %swap3A_40 = vector.shape_cast %add3A_36 : vector<16xi32> to vector<16xi32>
      tpu.vector_store %arg8[%swap3A_37], %swap3A_40 {strides = array<i32>} : memref<64xi32, #tpu.memory_space<vmem>>, vector<16xi32>,
      %get3A_41 = arith.constant 32 : index
      %get3A_42 = tpu.vector_load %arg7[%get3A_41] {strides = array<i32>} : memref<64xi32, #tpu.memory_space<vmem>>, vector<16xi32>,
      %get3A_43 = vector.shape_cast %get3A_42 : vector<16xi32> to vector<16xi32>
      %add3A_44 = arith.constant 2047 : i32
      %add3A_45 = vector.broadcast %add3A_44 : i32 to vector<16xi32>
      %add3A_46 = arith.addi %get3A_43, %add3A_45 : vector<16xi32>
      %rem3A_47 = arith.constant 2048 : i32
      %rem3A_48 = vector.broadcast %rem3A_47 : i32 to vector<16xi32>
      %rem3A_49 = arith.remsi %add3A_46, %rem3A_48 : vector<16xi32>
      %add3A_50 = arith.constant 32 : i32
      %add3A_51 = vector.broadcast %add3A_50 : i32 to vector<16xi32>
      %add3A_52 = arith.addi %iota3A, %add3A_51 : vector<16xi32>
      %mul3A_53 = arith.constant 2048 : i32
      %mul3A_54 = vector.broadcast %mul3A_53 : i32 to vector<16xi32>
      %mul3A_55 = arith.muli %add3A_52, %mul3A_54 : vector<16xi32>
      %add3A_56 = arith.addi %rem3A_49, %mul3A_55 : vector<16xi32>
      %swap3A_57 = arith.constant 32 : index
      %swap3A_58 = tpu.vector_load %arg8[%swap3A_57] {strides = array<i32>} : memref<64xi32, #tpu.memory_space<vmem>>, vector<16xi32>,
      %swap3A_59 = vector.shape_cast %swap3A_58 : vector<16xi32> to vector<16xi32>
      %swap3A_60 = vector.shape_cast %add3A_56 : vector<16xi32> to vector<16xi32>
      tpu.vector_store %arg8[%swap3A_57], %swap3A_60 {strides = array<i32>} : memref<64xi32, #tpu.memory_space<vmem>>, vector<16xi32>,
      %get3A_61 = arith.constant 48 : index
      %get3A_62 = tpu.vector_load %arg7[%get3A_61] {strides = array<i32>} : memref<64xi32, #tpu.memory_space<vmem>>, vector<16xi32>,
      %get3A_63 = vector.shape_cast %get3A_62 : vector<16xi32> to vector<16xi32>
      %add3A_64 = arith.constant 2047 : i32
      %add3A_65 = vector.broadcast %add3A_64 : i32 to vector<16xi32>
      %add3A_66 = arith.addi %get3A_63, %add3A_65 : vector<16xi32>
      %rem3A_67 = arith.constant 2048 : i32
      %rem3A_68 = vector.broadcast %rem3A_67 : i32 to vector<16xi32>
      %rem3A_69 = arith.remsi %add3A_66, %rem3A_68 : vector<16xi32>
      %add3A_70 = arith.constant 48 : i32
      %add3A_71 = vector.broadcast %add3A_70 : i32 to vector<16xi32>
      %add3A_72 = arith.addi %iota3A, %add3A_71 : vector<16xi32>
      %mul3A_73 = arith.constant 2048 : i32
      %mul3A_74 = vector.broadcast %mul3A_73 : i32 to vector<16xi32>
      %mul3A_75 = arith.muli %add3A_72, %mul3A_74 : vector<16xi32>
      %add3A_76 = arith.addi %rem3A_69, %mul3A_75 : vector<16xi32>
      %swap3A_77 = arith.constant 48 : index
      %swap3A_78 = tpu.vector_load %arg8[%swap3A_77] {strides = array<i32>} : memref<64xi32, #tpu.memory_space<vmem>>, vector<16xi32>,
      %swap3A_79 = vector.shape_cast %swap3A_78 : vector<16xi32> to vector<16xi32>
      %swap3A_80 = vector.shape_cast %add3A_76 : vector<16xi32> to vector<16xi32>
      tpu.vector_store %arg8[%swap3A_77], %swap3A_80 {strides = array<i32>} : memref<64xi32, #tpu.memory_space<vmem>>, vector<16xi32>,
      %mul3A_81 = arith.constant 8 : i32
      %mul3A_82 = arith.muli %add3A, %mul3A_81 : i32
      %dma_start3A = tpu.memref_slice %arg8[%mul3A_82] : memref<64xi32, #tpu.memory_space<vmem>> -> memref<8xi32, #tpu.memory_space<vmem>>
      %dma_start3A_83 = arith.constant 0 : i32
      %dma_start3A_84 = arith.constant 0 : i32
      %dma_start3A_85 = tpu.memref_slice %arg2[%dma_start3A_83, %dma_start3A_84] : memref<131072x1000xf32, #tpu.memory_space<hbm>> -> memref<131072x1000xf32, #tpu.memory_space<hbm>>
      tpu.enqueue_indirect_dma source(%dma_start3A_85 : memref<131072x1000xf32, #tpu.memory_space<hbm>>) target(%arg9 : memref<8x1000xf32, #tpu.memory_space<vmem>>) offsets(%dma_start3A : memref<8xi32, #tpu.memory_space<vmem>>) semaphore(%arg13 : memref<!tpu.dma_semaphore, #tpu.memory_space<semaphore_mem>>)
      %dma_wait3A = tpu.memref_slice %arg8[%mul3A_82] : memref<64xi32, #tpu.memory_space<vmem>> -> memref<8xi32, #tpu.memory_space<vmem>>
      %dma_wait3A_86 = arith.constant 0 : i32
      %dma_wait3A_87 = arith.constant 0 : i32
      %dma_wait3A_88 = tpu.memref_slice %arg2[%dma_wait3A_86, %dma_wait3A_87] : memref<131072x1000xf32, #tpu.memory_space<hbm>> -> memref<131072x1000xf32, #tpu.memory_space<hbm>>
      tpu.wait_indirect_dma semaphore(%arg13 : memref<!tpu.dma_semaphore, #tpu.memory_space<semaphore_mem>>) src(%dma_wait3A_88 : memref<131072x1000xf32, #tpu.memory_space<hbm>>) dst(%arg9 : memref<8x1000xf32, #tpu.memory_space<vmem>>)
      %scan3A = arith.constant 0 : i32
      %scan3A_89 = arith.constant 0 : i32
      %scan3A_90 = arith.constant 62 : i32
      %scan3A_91 = arith.addi %scan3A_89, %scan3A_90 : i32
      %scan3A_92 = arith.constant 1 : i32
      %scan3A_93 = scf.for %scan3A_320 = %scan3A_89 to %scan3A_91 step %scan3A_92 iter_args(%scan3A_321 = %scan3A) -> (i32)  : i32 {
        %mul3A_322 = arith.constant 16 : i32
        %mul3A_323 = arith.muli %scan3A_320, %mul3A_322 : i32
        %get3A_324 = arith.constant 0 : i32
        %get3A_325 = arith.index_cast %get3A_324 : i32 to index
        %get3A_326 = arith.index_cast %mul3A_323 : i32 to index
        %get3A_327 = tpu.vector_load %arg9[%get3A_325, %get3A_326] {strides = array<i32>} : memref<8x1000xf32, #tpu.memory_space<vmem>>, vector<1x16xf32>,
        %get3A_328 = vector.shape_cast %get3A_327 : vector<1x16xf32> to vector<16xf32>
        %mul3A_329 = arith.constant 16 : i32
        %mul3A_330 = arith.muli %scan3A_320, %mul3A_329 : i32
        %get3A_331 = arith.index_cast %mul3A_330 : i32 to index
        %get3A_332 = tpu.vector_load %arg11[%get3A_331] {strides = array<i32>} : memref<1000xf32, #tpu.memory_space<vmem>>, vector<16xf32>,
        %get3A_333 = vector.shape_cast %get3A_332 : vector<16xf32> to vector<16xf32>
        %mul3A_334 = arith.constant 16 : i32
        %mul3A_335 = arith.muli %scan3A_320, %mul3A_334 : i32
        %get3A_336 = arith.index_cast %mul3A_335 : i32 to index
        %get3A_337 = tpu.vector_load %arg12[%get3A_336] {strides = array<i32>} : memref<1000xf32, #tpu.memory_space<vmem>>, vector<16xf32>,
        %get3A_338 = vector.shape_cast %get3A_337 : vector<16xf32> to vector<16xf32>
        %mul3A_339 = arith.mulf %get3A_328, %get3A_333 : vector<16xf32>
        %add3A_340 = arith.addf %mul3A_339, %get3A_338 : vector<16xf32>
        %mul3A_341 = arith.constant 16 : i32
        %mul3A_342 = arith.muli %scan3A_320, %mul3A_341 : i32
        %swap3A_343 = arith.constant 0 : i32
        %swap3A_344 = arith.index_cast %swap3A_343 : i32 to index
        %swap3A_345 = arith.index_cast %mul3A_342 : i32 to index
        %swap3A_346 = tpu.vector_load %arg10[%swap3A_344, %swap3A_345] {strides = array<i32>} : memref<8x1008xf32, #tpu.memory_space<vmem>>, vector<1x16xf32>,
        %swap3A_347 = vector.shape_cast %swap3A_346 : vector<1x16xf32> to vector<16xf32>
        %swap3A_348 = vector.shape_cast %add3A_340 : vector<16xf32> to vector<1x16xf32>
        tpu.vector_store %arg10[%swap3A_344, %swap3A_345], %swap3A_348 {strides = array<i32>} : memref<8x1008xf32, #tpu.memory_space<vmem>>, vector<1x16xf32>,
        %scan3A_349 = arith.constant 0 : i32
        scf.yield %scan3A_349 : i32
      }
      %scan3A_94 = arith.constant 62 : i32
      %get3A_95 = arith.constant 0 : i32
      %get3A_96 = arith.index_cast %get3A_95 : i32 to index
      %get3A_97 = arith.constant 984 : index
      %get3A_98 = tpu.vector_load %arg9[%get3A_96, %get3A_97] {strides = array<i32>} : memref<8x1000xf32, #tpu.memory_space<vmem>>, vector<1x16xf32>,
      %get3A_99 = vector.shape_cast %get3A_98 : vector<1x16xf32> to vector<16xf32>
      %get3A_100 = arith.constant 984 : index
      %get3A_101 = tpu.vector_load %arg11[%get3A_100] {strides = array<i32>} : memref<1000xf32, #tpu.memory_space<vmem>>, vector<16xf32>,
      %get3A_102 = vector.shape_cast %get3A_101 : vector<16xf32> to vector<16xf32>
      %get3A_103 = arith.constant 984 : index
      %get3A_104 = tpu.vector_load %arg12[%get3A_103] {strides = array<i32>} : memref<1000xf32, #tpu.memory_space<vmem>>, vector<16xf32>,
      %get3A_105 = vector.shape_cast %get3A_104 : vector<16xf32> to vector<16xf32>
      %mul3A_106 = arith.mulf %get3A_99, %get3A_102 : vector<16xf32>
      %add3A_107 = arith.addf %mul3A_106, %get3A_105 : vector<16xf32>
      %swap3A_108 = arith.constant 0 : i32
      %swap3A_109 = arith.index_cast %swap3A_108 : i32 to index
      %swap3A_110 = arith.constant 984 : index
      %swap3A_111 = tpu.vector_load %arg10[%swap3A_109, %swap3A_110] {strides = array<i32>} : memref<8x1008xf32, #tpu.memory_space<vmem>>, vector<1x16xf32>,
      %swap3A_112 = vector.shape_cast %swap3A_111 : vector<1x16xf32> to vector<16xf32>
      %swap3A_113 = vector.shape_cast %add3A_107 : vector<16xf32> to vector<1x16xf32>
      tpu.vector_store %arg10[%swap3A_109, %swap3A_110], %swap3A_113 {strides = array<i32>} : memref<8x1008xf32, #tpu.memory_space<vmem>>, vector<1x16xf32>,
      %scan3A_114 = arith.constant 0 : i32
      %scan3A_115 = arith.constant 0 : i32
      %scan3A_116 = arith.constant 62 : i32
      %scan3A_117 = arith.addi %scan3A_115, %scan3A_116 : i32
      %scan3A_118 = arith.constant 1 : i32
      %scan3A_119 = scf.for %scan3A_320 = %scan3A_115 to %scan3A_117 step %scan3A_118 iter_args(%scan3A_321 = %scan3A_114) -> (i32)  : i32 {
        %mul3A_322 = arith.constant 16 : i32
        %mul3A_323 = arith.muli %scan3A_320, %mul3A_322 : i32
        %get3A_324 = arith.constant 1 : i32
        %get3A_325 = arith.index_cast %get3A_324 : i32 to index
        %get3A_326 = arith.index_cast %mul3A_323 : i32 to index
        %get3A_327 = tpu.vector_load %arg9[%get3A_325, %get3A_326] {strides = array<i32>} : memref<8x1000xf32, #tpu.memory_space<vmem>>, vector<1x16xf32>,
        %get3A_328 = vector.shape_cast %get3A_327 : vector<1x16xf32> to vector<16xf32>
        %mul3A_329 = arith.constant 16 : i32
        %mul3A_330 = arith.muli %scan3A_320, %mul3A_329 : i32
        %get3A_331 = arith.index_cast %mul3A_330 : i32 to index
        %get3A_332 = tpu.vector_load %arg11[%get3A_331] {strides = array<i32>} : memref<1000xf32, #tpu.memory_space<vmem>>, vector<16xf32>,
        %get3A_333 = vector.shape_cast %get3A_332 : vector<16xf32> to vector<16xf32>
        %mul3A_334 = arith.constant 16 : i32
        %mul3A_335 = arith.muli %scan3A_320, %mul3A_334 : i32
        %get3A_336 = arith.index_cast %mul3A_335 : i32 to index
        %get3A_337 = tpu.vector_load %arg12[%get3A_336] {strides = array<i32>} : memref<1000xf32, #tpu.memory_space<vmem>>, vector<16xf32>,
        %get3A_338 = vector.shape_cast %get3A_337 : vector<16xf32> to vector<16xf32>
        %mul3A_339 = arith.mulf %get3A_328, %get3A_333 : vector<16xf32>
        %add3A_340 = arith.addf %mul3A_339, %get3A_338 : vector<16xf32>
        %mul3A_341 = arith.constant 16 : i32
        %mul3A_342 = arith.muli %scan3A_320, %mul3A_341 : i32
        %swap3A_343 = arith.constant 1 : i32
        %swap3A_344 = arith.index_cast %swap3A_343 : i32 to index
        %swap3A_345 = arith.index_cast %mul3A_342 : i32 to index
        %swap3A_346 = tpu.vector_load %arg10[%swap3A_344, %swap3A_345] {strides = array<i32>} : memref<8x1008xf32, #tpu.memory_space<vmem>>, vector<1x16xf32>,
        %swap3A_347 = vector.shape_cast %swap3A_346 : vector<1x16xf32> to vector<16xf32>
        %swap3A_348 = vector.shape_cast %add3A_340 : vector<16xf32> to vector<1x16xf32>
        tpu.vector_store %arg10[%swap3A_344, %swap3A_345], %swap3A_348 {strides = array<i32>} : memref<8x1008xf32, #tpu.memory_space<vmem>>, vector<1x16xf32>,
        %scan3A_349 = arith.constant 0 : i32
        scf.yield %scan3A_349 : i32
      }
      %scan3A_120 = arith.constant 62 : i32
      %get3A_121 = arith.constant 1 : i32
      %get3A_122 = arith.index_cast %get3A_121 : i32 to index
      %get3A_123 = arith.constant 984 : index
      %get3A_124 = tpu.vector_load %arg9[%get3A_122, %get3A_123] {strides = array<i32>} : memref<8x1000xf32, #tpu.memory_space<vmem>>, vector<1x16xf32>,
      %get3A_125 = vector.shape_cast %get3A_124 : vector<1x16xf32> to vector<16xf32>
      %get3A_126 = arith.constant 984 : index
      %get3A_127 = tpu.vector_load %arg11[%get3A_126] {strides = array<i32>} : memref<1000xf32, #tpu.memory_space<vmem>>, vector<16xf32>,
      %get3A_128 = vector.shape_cast %get3A_127 : vector<16xf32> to vector<16xf32>
      %get3A_129 = arith.constant 984 : index
      %get3A_130 = tpu.vector_load %arg12[%get3A_129] {strides = array<i32>} : memref<1000xf32, #tpu.memory_space<vmem>>, vector<16xf32>,
      %get3A_131 = vector.shape_cast %get3A_130 : vector<16xf32> to vector<16xf32>
      %mul3A_132 = arith.mulf %get3A_125, %get3A_128 : vector<16xf32>
      %add3A_133 = arith.addf %mul3A_132, %get3A_131 : vector<16xf32>
      %swap3A_134 = arith.constant 1 : i32
      %swap3A_135 = arith.index_cast %swap3A_134 : i32 to index
      %swap3A_136 = arith.constant 984 : index
      %swap3A_137 = tpu.vector_load %arg10[%swap3A_135, %swap3A_136] {strides = array<i32>} : memref<8x1008xf32, #tpu.memory_space<vmem>>, vector<1x16xf32>,
      %swap3A_138 = vector.shape_cast %swap3A_137 : vector<1x16xf32> to vector<16xf32>
      %swap3A_139 = vector.shape_cast %add3A_133 : vector<16xf32> to vector<1x16xf32>
      tpu.vector_store %arg10[%swap3A_135, %swap3A_136], %swap3A_139 {strides = array<i32>} : memref<8x1008xf32, #tpu.memory_space<vmem>>, vector<1x16xf32>,
      %scan3A_140 = arith.constant 0 : i32
      %scan3A_141 = arith.constant 0 : i32
      %scan3A_142 = arith.constant 62 : i32
      %scan3A_143 = arith.addi %scan3A_141, %scan3A_142 : i32
      %scan3A_144 = arith.constant 1 : i32
      %scan3A_145 = scf.for %scan3A_320 = %scan3A_141 to %scan3A_143 step %scan3A_144 iter_args(%scan3A_321 = %scan3A_140) -> (i32)  : i32 {
        %mul3A_322 = arith.constant 16 : i32
        %mul3A_323 = arith.muli %scan3A_320, %mul3A_322 : i32
        %get3A_324 = arith.constant 2 : i32
        %get3A_325 = arith.index_cast %get3A_324 : i32 to index
        %get3A_326 = arith.index_cast %mul3A_323 : i32 to index
        %get3A_327 = tpu.vector_load %arg9[%get3A_325, %get3A_326] {strides = array<i32>} : memref<8x1000xf32, #tpu.memory_space<vmem>>, vector<1x16xf32>,
        %get3A_328 = vector.shape_cast %get3A_327 : vector<1x16xf32> to vector<16xf32>
        %mul3A_329 = arith.constant 16 : i32
        %mul3A_330 = arith.muli %scan3A_320, %mul3A_329 : i32
        %get3A_331 = arith.index_cast %mul3A_330 : i32 to index
        %get3A_332 = tpu.vector_load %arg11[%get3A_331] {strides = array<i32>} : memref<1000xf32, #tpu.memory_space<vmem>>, vector<16xf32>,
        %get3A_333 = vector.shape_cast %get3A_332 : vector<16xf32> to vector<16xf32>
        %mul3A_334 = arith.constant 16 : i32
        %mul3A_335 = arith.muli %scan3A_320, %mul3A_334 : i32
        %get3A_336 = arith.index_cast %mul3A_335 : i32 to index
        %get3A_337 = tpu.vector_load %arg12[%get3A_336] {strides = array<i32>} : memref<1000xf32, #tpu.memory_space<vmem>>, vector<16xf32>,
        %get3A_338 = vector.shape_cast %get3A_337 : vector<16xf32> to vector<16xf32>
        %mul3A_339 = arith.mulf %get3A_328, %get3A_333 : vector<16xf32>
        %add3A_340 = arith.addf %mul3A_339, %get3A_338 : vector<16xf32>
        %mul3A_341 = arith.constant 16 : i32
        %mul3A_342 = arith.muli %scan3A_320, %mul3A_341 : i32
        %swap3A_343 = arith.constant 2 : i32
        %swap3A_344 = arith.index_cast %swap3A_343 : i32 to index
        %swap3A_345 = arith.index_cast %mul3A_342 : i32 to index
        %swap3A_346 = tpu.vector_load %arg10[%swap3A_344, %swap3A_345] {strides = array<i32>} : memref<8x1008xf32, #tpu.memory_space<vmem>>, vector<1x16xf32>,
        %swap3A_347 = vector.shape_cast %swap3A_346 : vector<1x16xf32> to vector<16xf32>
        %swap3A_348 = vector.shape_cast %add3A_340 : vector<16xf32> to vector<1x16xf32>
        tpu.vector_store %arg10[%swap3A_344, %swap3A_345], %swap3A_348 {strides = array<i32>} : memref<8x1008xf32, #tpu.memory_space<vmem>>, vector<1x16xf32>,
        %scan3A_349 = arith.constant 0 : i32
        scf.yield %scan3A_349 : i32
      }
      %scan3A_146 = arith.constant 62 : i32
      %get3A_147 = arith.constant 2 : i32
      %get3A_148 = arith.index_cast %get3A_147 : i32 to index
      %get3A_149 = arith.constant 984 : index
      %get3A_150 = tpu.vector_load %arg9[%get3A_148, %get3A_149] {strides = array<i32>} : memref<8x1000xf32, #tpu.memory_space<vmem>>, vector<1x16xf32>,
      %get3A_151 = vector.shape_cast %get3A_150 : vector<1x16xf32> to vector<16xf32>
      %get3A_152 = arith.constant 984 : index
      %get3A_153 = tpu.vector_load %arg11[%get3A_152] {strides = array<i32>} : memref<1000xf32, #tpu.memory_space<vmem>>, vector<16xf32>,
      %get3A_154 = vector.shape_cast %get3A_153 : vector<16xf32> to vector<16xf32>
      %get3A_155 = arith.constant 984 : index
      %get3A_156 = tpu.vector_load %arg12[%get3A_155] {strides = array<i32>} : memref<1000xf32, #tpu.memory_space<vmem>>, vector<16xf32>,
      %get3A_157 = vector.shape_cast %get3A_156 : vector<16xf32> to vector<16xf32>
      %mul3A_158 = arith.mulf %get3A_151, %get3A_154 : vector<16xf32>
      %add3A_159 = arith.addf %mul3A_158, %get3A_157 : vector<16xf32>
      %swap3A_160 = arith.constant 2 : i32
      %swap3A_161 = arith.index_cast %swap3A_160 : i32 to index
      %swap3A_162 = arith.constant 984 : index
      %swap3A_163 = tpu.vector_load %arg10[%swap3A_161, %swap3A_162] {strides = array<i32>} : memref<8x1008xf32, #tpu.memory_space<vmem>>, vector<1x16xf32>,
      %swap3A_164 = vector.shape_cast %swap3A_163 : vector<1x16xf32> to vector<16xf32>
      %swap3A_165 = vector.shape_cast %add3A_159 : vector<16xf32> to vector<1x16xf32>
      tpu.vector_store %arg10[%swap3A_161, %swap3A_162], %swap3A_165 {strides = array<i32>} : memref<8x1008xf32, #tpu.memory_space<vmem>>, vector<1x16xf32>,
      %scan3A_166 = arith.constant 0 : i32
      %scan3A_167 = arith.constant 0 : i32
      %scan3A_168 = arith.constant 62 : i32
      %scan3A_169 = arith.addi %scan3A_167, %scan3A_168 : i32
      %scan3A_170 = arith.constant 1 : i32
      %scan3A_171 = scf.for %scan3A_320 = %scan3A_167 to %scan3A_169 step %scan3A_170 iter_args(%scan3A_321 = %scan3A_166) -> (i32)  : i32 {
        %mul3A_322 = arith.constant 16 : i32
        %mul3A_323 = arith.muli %scan3A_320, %mul3A_322 : i32
        %get3A_324 = arith.constant 3 : i32
        %get3A_325 = arith.index_cast %get3A_324 : i32 to index
        %get3A_326 = arith.index_cast %mul3A_323 : i32 to index
        %get3A_327 = tpu.vector_load %arg9[%get3A_325, %get3A_326] {strides = array<i32>} : memref<8x1000xf32, #tpu.memory_space<vmem>>, vector<1x16xf32>,
        %get3A_328 = vector.shape_cast %get3A_327 : vector<1x16xf32> to vector<16xf32>
        %mul3A_329 = arith.constant 16 : i32
        %mul3A_330 = arith.muli %scan3A_320, %mul3A_329 : i32
        %get3A_331 = arith.index_cast %mul3A_330 : i32 to index
        %get3A_332 = tpu.vector_load %arg11[%get3A_331] {strides = array<i32>} : memref<1000xf32, #tpu.memory_space<vmem>>, vector<16xf32>,
        %get3A_333 = vector.shape_cast %get3A_332 : vector<16xf32> to vector<16xf32>
        %mul3A_334 = arith.constant 16 : i32
        %mul3A_335 = arith.muli %scan3A_320, %mul3A_334 : i32
        %get3A_336 = arith.index_cast %mul3A_335 : i32 to index
        %get3A_337 = tpu.vector_load %arg12[%get3A_336] {strides = array<i32>} : memref<1000xf32, #tpu.memory_space<vmem>>, vector<16xf32>,
        %get3A_338 = vector.shape_cast %get3A_337 : vector<16xf32> to vector<16xf32>
        %mul3A_339 = arith.mulf %get3A_328, %get3A_333 : vector<16xf32>
        %add3A_340 = arith.addf %mul3A_339, %get3A_338 : vector<16xf32>
        %mul3A_341 = arith.constant 16 : i32
        %mul3A_342 = arith.muli %scan3A_320, %mul3A_341 : i32
        %swap3A_343 = arith.constant 3 : i32
        %swap3A_344 = arith.index_cast %swap3A_343 : i32 to index
        %swap3A_345 = arith.index_cast %mul3A_342 : i32 to index
        %swap3A_346 = tpu.vector_load %arg10[%swap3A_344, %swap3A_345] {strides = array<i32>} : memref<8x1008xf32, #tpu.memory_space<vmem>>, vector<1x16xf32>,
        %swap3A_347 = vector.shape_cast %swap3A_346 : vector<1x16xf32> to vector<16xf32>
        %swap3A_348 = vector.shape_cast %add3A_340 : vector<16xf32> to vector<1x16xf32>
        tpu.vector_store %arg10[%swap3A_344, %swap3A_345], %swap3A_348 {strides = array<i32>} : memref<8x1008xf32, #tpu.memory_space<vmem>>, vector<1x16xf32>,
        %scan3A_349 = arith.constant 0 : i32
        scf.yield %scan3A_349 : i32
      }
      %scan3A_172 = arith.constant 62 : i32
      %get3A_173 = arith.constant 3 : i32
      %get3A_174 = arith.index_cast %get3A_173 : i32 to index
      %get3A_175 = arith.constant 984 : index
      %get3A_176 = tpu.vector_load %arg9[%get3A_174, %get3A_175] {strides = array<i32>} : memref<8x1000xf32, #tpu.memory_space<vmem>>, vector<1x16xf32>,
      %get3A_177 = vector.shape_cast %get3A_176 : vector<1x16xf32> to vector<16xf32>
      %get3A_178 = arith.constant 984 : index
      %get3A_179 = tpu.vector_load %arg11[%get3A_178] {strides = array<i32>} : memref<1000xf32, #tpu.memory_space<vmem>>, vector<16xf32>,
      %get3A_180 = vector.shape_cast %get3A_179 : vector<16xf32> to vector<16xf32>
      %get3A_181 = arith.constant 984 : index
      %get3A_182 = tpu.vector_load %arg12[%get3A_181] {strides = array<i32>} : memref<1000xf32, #tpu.memory_space<vmem>>, vector<16xf32>,
      %get3A_183 = vector.shape_cast %get3A_182 : vector<16xf32> to vector<16xf32>
      %mul3A_184 = arith.mulf %get3A_177, %get3A_180 : vector<16xf32>
      %add3A_185 = arith.addf %mul3A_184, %get3A_183 : vector<16xf32>
      %swap3A_186 = arith.constant 3 : i32
      %swap3A_187 = arith.index_cast %swap3A_186 : i32 to index
      %swap3A_188 = arith.constant 984 : index
      %swap3A_189 = tpu.vector_load %arg10[%swap3A_187, %swap3A_188] {strides = array<i32>} : memref<8x1008xf32, #tpu.memory_space<vmem>>, vector<1x16xf32>,
      %swap3A_190 = vector.shape_cast %swap3A_189 : vector<1x16xf32> to vector<16xf32>
      %swap3A_191 = vector.shape_cast %add3A_185 : vector<16xf32> to vector<1x16xf32>
      tpu.vector_store %arg10[%swap3A_187, %swap3A_188], %swap3A_191 {strides = array<i32>} : memref<8x1008xf32, #tpu.memory_space<vmem>>, vector<1x16xf32>,
      %scan3A_192 = arith.constant 0 : i32
      %scan3A_193 = arith.constant 0 : i32
      %scan3A_194 = arith.constant 62 : i32
      %scan3A_195 = arith.addi %scan3A_193, %scan3A_194 : i32
      %scan3A_196 = arith.constant 1 : i32
      %scan3A_197 = scf.for %scan3A_320 = %scan3A_193 to %scan3A_195 step %scan3A_196 iter_args(%scan3A_321 = %scan3A_192) -> (i32)  : i32 {
        %mul3A_322 = arith.constant 16 : i32
        %mul3A_323 = arith.muli %scan3A_320, %mul3A_322 : i32
        %get3A_324 = arith.constant 4 : i32
        %get3A_325 = arith.index_cast %get3A_324 : i32 to index
        %get3A_326 = arith.index_cast %mul3A_323 : i32 to index
        %get3A_327 = tpu.vector_load %arg9[%get3A_325, %get3A_326] {strides = array<i32>} : memref<8x1000xf32, #tpu.memory_space<vmem>>, vector<1x16xf32>,
        %get3A_328 = vector.shape_cast %get3A_327 : vector<1x16xf32> to vector<16xf32>
        %mul3A_329 = arith.constant 16 : i32
        %mul3A_330 = arith.muli %scan3A_320, %mul3A_329 : i32
        %get3A_331 = arith.index_cast %mul3A_330 : i32 to index
        %get3A_332 = tpu.vector_load %arg11[%get3A_331] {strides = array<i32>} : memref<1000xf32, #tpu.memory_space<vmem>>, vector<16xf32>,
        %get3A_333 = vector.shape_cast %get3A_332 : vector<16xf32> to vector<16xf32>
        %mul3A_334 = arith.constant 16 : i32
        %mul3A_335 = arith.muli %scan3A_320, %mul3A_334 : i32
        %get3A_336 = arith.index_cast %mul3A_335 : i32 to index
        %get3A_337 = tpu.vector_load %arg12[%get3A_336] {strides = array<i32>} : memref<1000xf32, #tpu.memory_space<vmem>>, vector<16xf32>,
        %get3A_338 = vector.shape_cast %get3A_337 : vector<16xf32> to vector<16xf32>
        %mul3A_339 = arith.mulf %get3A_328, %get3A_333 : vector<16xf32>
        %add3A_340 = arith.addf %mul3A_339, %get3A_338 : vector<16xf32>
        %mul3A_341 = arith.constant 16 : i32
        %mul3A_342 = arith.muli %scan3A_320, %mul3A_341 : i32
        %swap3A_343 = arith.constant 4 : i32
        %swap3A_344 = arith.index_cast %swap3A_343 : i32 to index
        %swap3A_345 = arith.index_cast %mul3A_342 : i32 to index
        %swap3A_346 = tpu.vector_load %arg10[%swap3A_344, %swap3A_345] {strides = array<i32>} : memref<8x1008xf32, #tpu.memory_space<vmem>>, vector<1x16xf32>,
        %swap3A_347 = vector.shape_cast %swap3A_346 : vector<1x16xf32> to vector<16xf32>
        %swap3A_348 = vector.shape_cast %add3A_340 : vector<16xf32> to vector<1x16xf32>
        tpu.vector_store %arg10[%swap3A_344, %swap3A_345], %swap3A_348 {strides = array<i32>} : memref<8x1008xf32, #tpu.memory_space<vmem>>, vector<1x16xf32>,
        %scan3A_349 = arith.constant 0 : i32
        scf.yield %scan3A_349 : i32
      }
      %scan3A_198 = arith.constant 62 : i32
      %get3A_199 = arith.constant 4 : i32
      %get3A_200 = arith.index_cast %get3A_199 : i32 to index
      %get3A_201 = arith.constant 984 : index
      %get3A_202 = tpu.vector_load %arg9[%get3A_200, %get3A_201] {strides = array<i32>} : memref<8x1000xf32, #tpu.memory_space<vmem>>, vector<1x16xf32>,
      %get3A_203 = vector.shape_cast %get3A_202 : vector<1x16xf32> to vector<16xf32>
      %get3A_204 = arith.constant 984 : index
      %get3A_205 = tpu.vector_load %arg11[%get3A_204] {strides = array<i32>} : memref<1000xf32, #tpu.memory_space<vmem>>, vector<16xf32>,
      %get3A_206 = vector.shape_cast %get3A_205 : vector<16xf32> to vector<16xf32>
      %get3A_207 = arith.constant 984 : index
      %get3A_208 = tpu.vector_load %arg12[%get3A_207] {strides = array<i32>} : memref<1000xf32, #tpu.memory_space<vmem>>, vector<16xf32>,
      %get3A_209 = vector.shape_cast %get3A_208 : vector<16xf32> to vector<16xf32>
      %mul3A_210 = arith.mulf %get3A_203, %get3A_206 : vector<16xf32>
      %add3A_211 = arith.addf %mul3A_210, %get3A_209 : vector<16xf32>
      %swap3A_212 = arith.constant 4 : i32
      %swap3A_213 = arith.index_cast %swap3A_212 : i32 to index
      %swap3A_214 = arith.constant 984 : index
      %swap3A_215 = tpu.vector_load %arg10[%swap3A_213, %swap3A_214] {strides = array<i32>} : memref<8x1008xf32, #tpu.memory_space<vmem>>, vector<1x16xf32>,
      %swap3A_216 = vector.shape_cast %swap3A_215 : vector<1x16xf32> to vector<16xf32>
      %swap3A_217 = vector.shape_cast %add3A_211 : vector<16xf32> to vector<1x16xf32>
      tpu.vector_store %arg10[%swap3A_213, %swap3A_214], %swap3A_217 {strides = array<i32>} : memref<8x1008xf32, #tpu.memory_space<vmem>>, vector<1x16xf32>,
      %scan3A_218 = arith.constant 0 : i32
      %scan3A_219 = arith.constant 0 : i32
      %scan3A_220 = arith.constant 62 : i32
      %scan3A_221 = arith.addi %scan3A_219, %scan3A_220 : i32
      %scan3A_222 = arith.constant 1 : i32
      %scan3A_223 = scf.for %scan3A_320 = %scan3A_219 to %scan3A_221 step %scan3A_222 iter_args(%scan3A_321 = %scan3A_218) -> (i32)  : i32 {
        %mul3A_322 = arith.constant 16 : i32
        %mul3A_323 = arith.muli %scan3A_320, %mul3A_322 : i32
        %get3A_324 = arith.constant 5 : i32
        %get3A_325 = arith.index_cast %get3A_324 : i32 to index
        %get3A_326 = arith.index_cast %mul3A_323 : i32 to index
        %get3A_327 = tpu.vector_load %arg9[%get3A_325, %get3A_326] {strides = array<i32>} : memref<8x1000xf32, #tpu.memory_space<vmem>>, vector<1x16xf32>,
        %get3A_328 = vector.shape_cast %get3A_327 : vector<1x16xf32> to vector<16xf32>
        %mul3A_329 = arith.constant 16 : i32
        %mul3A_330 = arith.muli %scan3A_320, %mul3A_329 : i32
        %get3A_331 = arith.index_cast %mul3A_330 : i32 to index
        %get3A_332 = tpu.vector_load %arg11[%get3A_331] {strides = array<i32>} : memref<1000xf32, #tpu.memory_space<vmem>>, vector<16xf32>,
        %get3A_333 = vector.shape_cast %get3A_332 : vector<16xf32> to vector<16xf32>
        %mul3A_334 = arith.constant 16 : i32
        %mul3A_335 = arith.muli %scan3A_320, %mul3A_334 : i32
        %get3A_336 = arith.index_cast %mul3A_335 : i32 to index
        %get3A_337 = tpu.vector_load %arg12[%get3A_336] {strides = array<i32>} : memref<1000xf32, #tpu.memory_space<vmem>>, vector<16xf32>,
        %get3A_338 = vector.shape_cast %get3A_337 : vector<16xf32> to vector<16xf32>
        %mul3A_339 = arith.mulf %get3A_328, %get3A_333 : vector<16xf32>
        %add3A_340 = arith.addf %mul3A_339, %get3A_338 : vector<16xf32>
        %mul3A_341 = arith.constant 16 : i32
        %mul3A_342 = arith.muli %scan3A_320, %mul3A_341 : i32
        %swap3A_343 = arith.constant 5 : i32
        %swap3A_344 = arith.index_cast %swap3A_343 : i32 to index
        %swap3A_345 = arith.index_cast %mul3A_342 : i32 to index
        %swap3A_346 = tpu.vector_load %arg10[%swap3A_344, %swap3A_345] {strides = array<i32>} : memref<8x1008xf32, #tpu.memory_space<vmem>>, vector<1x16xf32>,
        %swap3A_347 = vector.shape_cast %swap3A_346 : vector<1x16xf32> to vector<16xf32>
        %swap3A_348 = vector.shape_cast %add3A_340 : vector<16xf32> to vector<1x16xf32>
        tpu.vector_store %arg10[%swap3A_344, %swap3A_345], %swap3A_348 {strides = array<i32>} : memref<8x1008xf32, #tpu.memory_space<vmem>>, vector<1x16xf32>,
        %scan3A_349 = arith.constant 0 : i32
        scf.yield %scan3A_349 : i32
      }
      %scan3A_224 = arith.constant 62 : i32
      %get3A_225 = arith.constant 5 : i32
      %get3A_226 = arith.index_cast %get3A_225 : i32 to index
      %get3A_227 = arith.constant 984 : index
      %get3A_228 = tpu.vector_load %arg9[%get3A_226, %get3A_227] {strides = array<i32>} : memref<8x1000xf32, #tpu.memory_space<vmem>>, vector<1x16xf32>,
      %get3A_229 = vector.shape_cast %get3A_228 : vector<1x16xf32> to vector<16xf32>
      %get3A_230 = arith.constant 984 : index
      %get3A_231 = tpu.vector_load %arg11[%get3A_230] {strides = array<i32>} : memref<1000xf32, #tpu.memory_space<vmem>>, vector<16xf32>,
      %get3A_232 = vector.shape_cast %get3A_231 : vector<16xf32> to vector<16xf32>
      %get3A_233 = arith.constant 984 : index
      %get3A_234 = tpu.vector_load %arg12[%get3A_233] {strides = array<i32>} : memref<1000xf32, #tpu.memory_space<vmem>>, vector<16xf32>,
      %get3A_235 = vector.shape_cast %get3A_234 : vector<16xf32> to vector<16xf32>
      %mul3A_236 = arith.mulf %get3A_229, %get3A_232 : vector<16xf32>
      %add3A_237 = arith.addf %mul3A_236, %get3A_235 : vector<16xf32>
      %swap3A_238 = arith.constant 5 : i32
      %swap3A_239 = arith.index_cast %swap3A_238 : i32 to index
      %swap3A_240 = arith.constant 984 : index
      %swap3A_241 = tpu.vector_load %arg10[%swap3A_239, %swap3A_240] {strides = array<i32>} : memref<8x1008xf32, #tpu.memory_space<vmem>>, vector<1x16xf32>,
      %swap3A_242 = vector.shape_cast %swap3A_241 : vector<1x16xf32> to vector<16xf32>
      %swap3A_243 = vector.shape_cast %add3A_237 : vector<16xf32> to vector<1x16xf32>
      tpu.vector_store %arg10[%swap3A_239, %swap3A_240], %swap3A_243 {strides = array<i32>} : memref<8x1008xf32, #tpu.memory_space<vmem>>, vector<1x16xf32>,
      %scan3A_244 = arith.constant 0 : i32
      %scan3A_245 = arith.constant 0 : i32
      %scan3A_246 = arith.constant 62 : i32
      %scan3A_247 = arith.addi %scan3A_245, %scan3A_246 : i32
      %scan3A_248 = arith.constant 1 : i32
      %scan3A_249 = scf.for %scan3A_320 = %scan3A_245 to %scan3A_247 step %scan3A_248 iter_args(%scan3A_321 = %scan3A_244) -> (i32)  : i32 {
        %mul3A_322 = arith.constant 16 : i32
        %mul3A_323 = arith.muli %scan3A_320, %mul3A_322 : i32
        %get3A_324 = arith.constant 6 : i32
        %get3A_325 = arith.index_cast %get3A_324 : i32 to index
        %get3A_326 = arith.index_cast %mul3A_323 : i32 to index
        %get3A_327 = tpu.vector_load %arg9[%get3A_325, %get3A_326] {strides = array<i32>} : memref<8x1000xf32, #tpu.memory_space<vmem>>, vector<1x16xf32>,
        %get3A_328 = vector.shape_cast %get3A_327 : vector<1x16xf32> to vector<16xf32>
        %mul3A_329 = arith.constant 16 : i32
        %mul3A_330 = arith.muli %scan3A_320, %mul3A_329 : i32
        %get3A_331 = arith.index_cast %mul3A_330 : i32 to index
        %get3A_332 = tpu.vector_load %arg11[%get3A_331] {strides = array<i32>} : memref<1000xf32, #tpu.memory_space<vmem>>, vector<16xf32>,
        %get3A_333 = vector.shape_cast %get3A_332 : vector<16xf32> to vector<16xf32>
        %mul3A_334 = arith.constant 16 : i32
        %mul3A_335 = arith.muli %scan3A_320, %mul3A_334 : i32
        %get3A_336 = arith.index_cast %mul3A_335 : i32 to index
        %get3A_337 = tpu.vector_load %arg12[%get3A_336] {strides = array<i32>} : memref<1000xf32, #tpu.memory_space<vmem>>, vector<16xf32>,
        %get3A_338 = vector.shape_cast %get3A_337 : vector<16xf32> to vector<16xf32>
        %mul3A_339 = arith.mulf %get3A_328, %get3A_333 : vector<16xf32>
        %add3A_340 = arith.addf %mul3A_339, %get3A_338 : vector<16xf32>
        %mul3A_341 = arith.constant 16 : i32
        %mul3A_342 = arith.muli %scan3A_320, %mul3A_341 : i32
        %swap3A_343 = arith.constant 6 : i32
        %swap3A_344 = arith.index_cast %swap3A_343 : i32 to index
        %swap3A_345 = arith.index_cast %mul3A_342 : i32 to index
        %swap3A_346 = tpu.vector_load %arg10[%swap3A_344, %swap3A_345] {strides = array<i32>} : memref<8x1008xf32, #tpu.memory_space<vmem>>, vector<1x16xf32>,
        %swap3A_347 = vector.shape_cast %swap3A_346 : vector<1x16xf32> to vector<16xf32>
        %swap3A_348 = vector.shape_cast %add3A_340 : vector<16xf32> to vector<1x16xf32>
        tpu.vector_store %arg10[%swap3A_344, %swap3A_345], %swap3A_348 {strides = array<i32>} : memref<8x1008xf32, #tpu.memory_space<vmem>>, vector<1x16xf32>,
        %scan3A_349 = arith.constant 0 : i32
        scf.yield %scan3A_349 : i32
      }
      %scan3A_250 = arith.constant 62 : i32
      %get3A_251 = arith.constant 6 : i32
      %get3A_252 = arith.index_cast %get3A_251 : i32 to index
      %get3A_253 = arith.constant 984 : index
      %get3A_254 = tpu.vector_load %arg9[%get3A_252, %get3A_253] {strides = array<i32>} : memref<8x1000xf32, #tpu.memory_space<vmem>>, vector<1x16xf32>,
      %get3A_255 = vector.shape_cast %get3A_254 : vector<1x16xf32> to vector<16xf32>
      %get3A_256 = arith.constant 984 : index
      %get3A_257 = tpu.vector_load %arg11[%get3A_256] {strides = array<i32>} : memref<1000xf32, #tpu.memory_space<vmem>>, vector<16xf32>,
      %get3A_258 = vector.shape_cast %get3A_257 : vector<16xf32> to vector<16xf32>
      %get3A_259 = arith.constant 984 : index
      %get3A_260 = tpu.vector_load %arg12[%get3A_259] {strides = array<i32>} : memref<1000xf32, #tpu.memory_space<vmem>>, vector<16xf32>,
      %get3A_261 = vector.shape_cast %get3A_260 : vector<16xf32> to vector<16xf32>
      %mul3A_262 = arith.mulf %get3A_255, %get3A_258 : vector<16xf32>
      %add3A_263 = arith.addf %mul3A_262, %get3A_261 : vector<16xf32>
      %swap3A_264 = arith.constant 6 : i32
      %swap3A_265 = arith.index_cast %swap3A_264 : i32 to index
      %swap3A_266 = arith.constant 984 : index
      %swap3A_267 = tpu.vector_load %arg10[%swap3A_265, %swap3A_266] {strides = array<i32>} : memref<8x1008xf32, #tpu.memory_space<vmem>>, vector<1x16xf32>,
      %swap3A_268 = vector.shape_cast %swap3A_267 : vector<1x16xf32> to vector<16xf32>
      %swap3A_269 = vector.shape_cast %add3A_263 : vector<16xf32> to vector<1x16xf32>
      tpu.vector_store %arg10[%swap3A_265, %swap3A_266], %swap3A_269 {strides = array<i32>} : memref<8x1008xf32, #tpu.memory_space<vmem>>, vector<1x16xf32>,
      %scan3A_270 = arith.constant 0 : i32
      %scan3A_271 = arith.constant 0 : i32
      %scan3A_272 = arith.constant 62 : i32
      %scan3A_273 = arith.addi %scan3A_271, %scan3A_272 : i32
      %scan3A_274 = arith.constant 1 : i32
      %scan3A_275 = scf.for %scan3A_320 = %scan3A_271 to %scan3A_273 step %scan3A_274 iter_args(%scan3A_321 = %scan3A_270) -> (i32)  : i32 {
        %mul3A_322 = arith.constant 16 : i32
        %mul3A_323 = arith.muli %scan3A_320, %mul3A_322 : i32
        %get3A_324 = arith.constant 7 : i32
        %get3A_325 = arith.index_cast %get3A_324 : i32 to index
        %get3A_326 = arith.index_cast %mul3A_323 : i32 to index
        %get3A_327 = tpu.vector_load %arg9[%get3A_325, %get3A_326] {strides = array<i32>} : memref<8x1000xf32, #tpu.memory_space<vmem>>, vector<1x16xf32>,
        %get3A_328 = vector.shape_cast %get3A_327 : vector<1x16xf32> to vector<16xf32>
        %mul3A_329 = arith.constant 16 : i32
        %mul3A_330 = arith.muli %scan3A_320, %mul3A_329 : i32
        %get3A_331 = arith.index_cast %mul3A_330 : i32 to index
        %get3A_332 = tpu.vector_load %arg11[%get3A_331] {strides = array<i32>} : memref<1000xf32, #tpu.memory_space<vmem>>, vector<16xf32>,
        %get3A_333 = vector.shape_cast %get3A_332 : vector<16xf32> to vector<16xf32>
        %mul3A_334 = arith.constant 16 : i32
        %mul3A_335 = arith.muli %scan3A_320, %mul3A_334 : i32
        %get3A_336 = arith.index_cast %mul3A_335 : i32 to index
        %get3A_337 = tpu.vector_load %arg12[%get3A_336] {strides = array<i32>} : memref<1000xf32, #tpu.memory_space<vmem>>, vector<16xf32>,
        %get3A_338 = vector.shape_cast %get3A_337 : vector<16xf32> to vector<16xf32>
        %mul3A_339 = arith.mulf %get3A_328, %get3A_333 : vector<16xf32>
        %add3A_340 = arith.addf %mul3A_339, %get3A_338 : vector<16xf32>
        %mul3A_341 = arith.constant 16 : i32
        %mul3A_342 = arith.muli %scan3A_320, %mul3A_341 : i32
        %swap3A_343 = arith.constant 7 : i32
        %swap3A_344 = arith.index_cast %swap3A_343 : i32 to index
        %swap3A_345 = arith.index_cast %mul3A_342 : i32 to index
        %swap3A_346 = tpu.vector_load %arg10[%swap3A_344, %swap3A_345] {strides = array<i32>} : memref<8x1008xf32, #tpu.memory_space<vmem>>, vector<1x16xf32>,
        %swap3A_347 = vector.shape_cast %swap3A_346 : vector<1x16xf32> to vector<16xf32>
        %swap3A_348 = vector.shape_cast %add3A_340 : vector<16xf32> to vector<1x16xf32>
        tpu.vector_store %arg10[%swap3A_344, %swap3A_345], %swap3A_348 {strides = array<i32>} : memref<8x1008xf32, #tpu.memory_space<vmem>>, vector<1x16xf32>,
        %scan3A_349 = arith.constant 0 : i32
        scf.yield %scan3A_349 : i32
      }
      %scan3A_276 = arith.constant 62 : i32
      %get3A_277 = arith.constant 7 : i32
      %get3A_278 = arith.index_cast %get3A_277 : i32 to index
      %get3A_279 = arith.constant 984 : index
      %get3A_280 = tpu.vector_load %arg9[%get3A_278, %get3A_279] {strides = array<i32>} : memref<8x1000xf32, #tpu.memory_space<vmem>>, vector<1x16xf32>,
      %get3A_281 = vector.shape_cast %get3A_280 : vector<1x16xf32> to vector<16xf32>
      %get3A_282 = arith.constant 984 : index
      %get3A_283 = tpu.vector_load %arg11[%get3A_282] {strides = array<i32>} : memref<1000xf32, #tpu.memory_space<vmem>>, vector<16xf32>,
      %get3A_284 = vector.shape_cast %get3A_283 : vector<16xf32> to vector<16xf32>
      %get3A_285 = arith.constant 984 : index
      %get3A_286 = tpu.vector_load %arg12[%get3A_285] {strides = array<i32>} : memref<1000xf32, #tpu.memory_space<vmem>>, vector<16xf32>,
      %get3A_287 = vector.shape_cast %get3A_286 : vector<16xf32> to vector<16xf32>
      %mul3A_288 = arith.mulf %get3A_281, %get3A_284 : vector<16xf32>
      %add3A_289 = arith.addf %mul3A_288, %get3A_287 : vector<16xf32>
      %swap3A_290 = arith.constant 7 : i32
      %swap3A_291 = arith.index_cast %swap3A_290 : i32 to index
      %swap3A_292 = arith.constant 984 : index
      %swap3A_293 = tpu.vector_load %arg10[%swap3A_291, %swap3A_292] {strides = array<i32>} : memref<8x1008xf32, #tpu.memory_space<vmem>>, vector<1x16xf32>,
      %swap3A_294 = vector.shape_cast %swap3A_293 : vector<1x16xf32> to vector<16xf32>
      %swap3A_295 = vector.shape_cast %add3A_289 : vector<16xf32> to vector<1x16xf32>
      tpu.vector_store %arg10[%swap3A_291, %swap3A_292], %swap3A_295 {strides = array<i32>} : memref<8x1008xf32, #tpu.memory_space<vmem>>, vector<1x16xf32>,
      %add3A_296 = arith.constant 0 : i32
      %add3A_297 = arith.addi %mul3A_82, %add3A_296 : i32
      %run_scoped3A_298 = arith.constant 0 : i32
      "tpu.region"() ({
        %run_scoped3A_320 = tpu.sem_alloc : memref<!tpu.dma_semaphore, #tpu.memory_space<semaphore_mem>>
        %dma_start3A_321 = arith.constant 0 : i32
        %dma_start3A_322 = tpu.memref_slice %arg10[%run_scoped3A_298, %dma_start3A_321] : memref<8x1008xf32, #tpu.memory_space<vmem>> -> memref<1x1000xf32, #tpu.memory_space<vmem>>
        %dma_start3A_323 = tpu.memref_squeeze %dma_start3A_322 : memref<1x1000xf32, #tpu.memory_space<vmem>> -> memref<1000xf32, #tpu.memory_space<vmem>>
        %dma_start3A_324 = arith.constant 0 : i32
        %dma_start3A_325 = tpu.memref_slice %arg6[%add3A_297, %dma_start3A_324] : memref<64x1000xf32, #tpu.memory_space<hbm>> -> memref<1x1000xf32, #tpu.memory_space<hbm>>
        %dma_start3A_326 = tpu.memref_squeeze %dma_start3A_325 : memref<1x1000xf32, #tpu.memory_space<hbm>> -> memref<1000xf32, #tpu.memory_space<hbm>>
        %dma_start3A_327 = arith.constant 0 : i32
        %dma_start3A_328 = tpu.memref_slice %arg6[%add3A_297, %dma_start3A_327] : memref<64x1000xf32, #tpu.memory_space<hbm>> -> memref<1x1000xf32, #tpu.memory_space<hbm>>
        %dma_start3A_329 = tpu.memref_squeeze %dma_start3A_328 : memref<1x1000xf32, #tpu.memory_space<hbm>> -> memref<1000xf32, #tpu.memory_space<hbm>>
        %dma_start3A_330 = arith.constant 0 : i32
        %dma_start3A_331 = tpu.memref_slice %arg10[%run_scoped3A_298, %dma_start3A_330] : memref<8x1008xf32, #tpu.memory_space<vmem>> -> memref<1x1000xf32, #tpu.memory_space<vmem>>
        %dma_start3A_332 = tpu.memref_squeeze %dma_start3A_331 : memref<1x1000xf32, #tpu.memory_space<vmem>> -> memref<1000xf32, #tpu.memory_space<vmem>>
        tpu.enqueue_dma source(%dma_start3A_332 : memref<1000xf32, #tpu.memory_space<vmem>>) target(%dma_start3A_329 : memref<1000xf32, #tpu.memory_space<hbm>>) target_semaphore(%run_scoped3A_320 : memref<!tpu.dma_semaphore, #tpu.memory_space<semaphore_mem>>)
        %dma_wait3A_333 = arith.constant 0 : i32
        %dma_wait3A_334 = tpu.memref_slice %arg10[%run_scoped3A_298, %dma_wait3A_333] : memref<8x1008xf32, #tpu.memory_space<vmem>> -> memref<1x1000xf32, #tpu.memory_space<vmem>>
        %dma_wait3A_335 = tpu.memref_squeeze %dma_wait3A_334 : memref<1x1000xf32, #tpu.memory_space<vmem>> -> memref<1000xf32, #tpu.memory_space<vmem>>
        %dma_wait3A_336 = arith.constant 0 : i32
        %dma_wait3A_337 = tpu.memref_slice %arg6[%add3A_297, %dma_wait3A_336] : memref<64x1000xf32, #tpu.memory_space<hbm>> -> memref<1x1000xf32, #tpu.memory_space<hbm>>
        %dma_wait3A_338 = tpu.memref_squeeze %dma_wait3A_337 : memref<1x1000xf32, #tpu.memory_space<hbm>> -> memref<1000xf32, #tpu.memory_space<hbm>>
        %dma_wait3A_339 = arith.constant 0 : i32
        %dma_wait3A_340 = tpu.memref_slice %arg6[%add3A_297, %dma_wait3A_339] : memref<64x1000xf32, #tpu.memory_space<hbm>> -> memref<1x1000xf32, #tpu.memory_space<hbm>>
        %dma_wait3A_341 = tpu.memref_squeeze %dma_wait3A_340 : memref<1x1000xf32, #tpu.memory_space<hbm>> -> memref<1000xf32, #tpu.memory_space<hbm>>
        %dma_wait3A_342 = arith.constant 0 : i32
        %dma_wait3A_343 = tpu.memref_slice %arg10[%run_scoped3A_298, %dma_wait3A_342] : memref<8x1008xf32, #tpu.memory_space<vmem>> -> memref<1x1000xf32, #tpu.memory_space<vmem>>
        %dma_wait3A_344 = tpu.memref_squeeze %dma_wait3A_343 : memref<1x1000xf32, #tpu.memory_space<vmem>> -> memref<1000xf32, #tpu.memory_space<vmem>>
        tpu.wait_dma2 semaphore(%run_scoped3A_320 : memref<!tpu.dma_semaphore, #tpu.memory_space<semaphore_mem>>) src(%dma_wait3A_344 : memref<1000xf32, #tpu.memory_space<vmem>>) dst(%dma_wait3A_341 : memref<1000xf32, #tpu.memory_space<hbm>>)
        tpu.yield
      }) : () -> ()
      %add3A_299 = arith.constant 1 : i32
      %add3A_300 = arith.addi %mul3A_82, %add3A_299 : i32
      %run_scoped3A_301 = arith.constant 1 : i32
      "tpu.region"() ({
        %run_scoped3A_320 = tpu.sem_alloc : memref<!tpu.dma_semaphore, #tpu.memory_space<semaphore_mem>>
        %dma_start3A_321 = arith.constant 0 : i32
        %dma_start3A_322 = tpu.memref_slice %arg10[%run_scoped3A_301, %dma_start3A_321] : memref<8x1008xf32, #tpu.memory_space<vmem>> -> memref<1x1000xf32, #tpu.memory_space<vmem>>
        %dma_start3A_323 = tpu.memref_squeeze %dma_start3A_322 : memref<1x1000xf32, #tpu.memory_space<vmem>> -> memref<1000xf32, #tpu.memory_space<vmem>>
        %dma_start3A_324 = arith.constant 0 : i32
        %dma_start3A_325 = tpu.memref_slice %arg6[%add3A_300, %dma_start3A_324] : memref<64x1000xf32, #tpu.memory_space<hbm>> -> memref<1x1000xf32, #tpu.memory_space<hbm>>
        %dma_start3A_326 = tpu.memref_squeeze %dma_start3A_325 : memref<1x1000xf32, #tpu.memory_space<hbm>> -> memref<1000xf32, #tpu.memory_space<hbm>>
        %dma_start3A_327 = arith.constant 0 : i32
        %dma_start3A_328 = tpu.memref_slice %arg6[%add3A_300, %dma_start3A_327] : memref<64x1000xf32, #tpu.memory_space<hbm>> -> memref<1x1000xf32, #tpu.memory_space<hbm>>
        %dma_start3A_329 = tpu.memref_squeeze %dma_start3A_328 : memref<1x1000xf32, #tpu.memory_space<hbm>> -> memref<1000xf32, #tpu.memory_space<hbm>>
        %dma_start3A_330 = arith.constant 0 : i32
        %dma_start3A_331 = tpu.memref_slice %arg10[%run_scoped3A_301, %dma_start3A_330] : memref<8x1008xf32, #tpu.memory_space<vmem>> -> memref<1x1000xf32, #tpu.memory_space<vmem>>
        %dma_start3A_332 = tpu.memref_squeeze %dma_start3A_331 : memref<1x1000xf32, #tpu.memory_space<vmem>> -> memref<1000xf32, #tpu.memory_space<vmem>>
        tpu.enqueue_dma source(%dma_start3A_332 : memref<1000xf32, #tpu.memory_space<vmem>>) target(%dma_start3A_329 : memref<1000xf32, #tpu.memory_space<hbm>>) target_semaphore(%run_scoped3A_320 : memref<!tpu.dma_semaphore, #tpu.memory_space<semaphore_mem>>)
        %dma_wait3A_333 = arith.constant 0 : i32
        %dma_wait3A_334 = tpu.memref_slice %arg10[%run_scoped3A_301, %dma_wait3A_333] : memref<8x1008xf32, #tpu.memory_space<vmem>> -> memref<1x1000xf32, #tpu.memory_space<vmem>>
        %dma_wait3A_335 = tpu.memref_squeeze %dma_wait3A_334 : memref<1x1000xf32, #tpu.memory_space<vmem>> -> memref<1000xf32, #tpu.memory_space<vmem>>
        %dma_wait3A_336 = arith.constant 0 : i32
        %dma_wait3A_337 = tpu.memref_slice %arg6[%add3A_300, %dma_wait3A_336] : memref<64x1000xf32, #tpu.memory_space<hbm>> -> memref<1x1000xf32, #tpu.memory_space<hbm>>
        %dma_wait3A_338 = tpu.memref_squeeze %dma_wait3A_337 : memref<1x1000xf32, #tpu.memory_space<hbm>> -> memref<1000xf32, #tpu.memory_space<hbm>>
        %dma_wait3A_339 = arith.constant 0 : i32
        %dma_wait3A_340 = tpu.memref_slice %arg6[%add3A_300, %dma_wait3A_339] : memref<64x1000xf32, #tpu.memory_space<hbm>> -> memref<1x1000xf32, #tpu.memory_space<hbm>>
        %dma_wait3A_341 = tpu.memref_squeeze %dma_wait3A_340 : memref<1x1000xf32, #tpu.memory_space<hbm>> -> memref<1000xf32, #tpu.memory_space<hbm>>
        %dma_wait3A_342 = arith.constant 0 : i32
        %dma_wait3A_343 = tpu.memref_slice %arg10[%run_scoped3A_301, %dma_wait3A_342] : memref<8x1008xf32, #tpu.memory_space<vmem>> -> memref<1x1000xf32, #tpu.memory_space<vmem>>
        %dma_wait3A_344 = tpu.memref_squeeze %dma_wait3A_343 : memref<1x1000xf32, #tpu.memory_space<vmem>> -> memref<1000xf32, #tpu.memory_space<vmem>>
        tpu.wait_dma2 semaphore(%run_scoped3A_320 : memref<!tpu.dma_semaphore, #tpu.memory_space<semaphore_mem>>) src(%dma_wait3A_344 : memref<1000xf32, #tpu.memory_space<vmem>>) dst(%dma_wait3A_341 : memref<1000xf32, #tpu.memory_space<hbm>>)
        tpu.yield
      }) : () -> ()
      %add3A_302 = arith.constant 2 : i32
      %add3A_303 = arith.addi %mul3A_82, %add3A_302 : i32
      %run_scoped3A_304 = arith.constant 2 : i32
      "tpu.region"() ({
        %run_scoped3A_320 = tpu.sem_alloc : memref<!tpu.dma_semaphore, #tpu.memory_space<semaphore_mem>>
        %dma_start3A_321 = arith.constant 0 : i32
        %dma_start3A_322 = tpu.memref_slice %arg10[%run_scoped3A_304, %dma_start3A_321] : memref<8x1008xf32, #tpu.memory_space<vmem>> -> memref<1x1000xf32, #tpu.memory_space<vmem>>
        %dma_start3A_323 = tpu.memref_squeeze %dma_start3A_322 : memref<1x1000xf32, #tpu.memory_space<vmem>> -> memref<1000xf32, #tpu.memory_space<vmem>>
        %dma_start3A_324 = arith.constant 0 : i32
        %dma_start3A_325 = tpu.memref_slice %arg6[%add3A_303, %dma_start3A_324] : memref<64x1000xf32, #tpu.memory_space<hbm>> -> memref<1x1000xf32, #tpu.memory_space<hbm>>
        %dma_start3A_326 = tpu.memref_squeeze %dma_start3A_325 : memref<1x1000xf32, #tpu.memory_space<hbm>> -> memref<1000xf32, #tpu.memory_space<hbm>>
        %dma_start3A_327 = arith.constant 0 : i32
        %dma_start3A_328 = tpu.memref_slice %arg6[%add3A_303, %dma_start3A_327] : memref<64x1000xf32, #tpu.memory_space<hbm>> -> memref<1x1000xf32, #tpu.memory_space<hbm>>
        %dma_start3A_329 = tpu.memref_squeeze %dma_start3A_328 : memref<1x1000xf32, #tpu.memory_space<hbm>> -> memref<1000xf32, #tpu.memory_space<hbm>>
        %dma_start3A_330 = arith.constant 0 : i32
        %dma_start3A_331 = tpu.memref_slice %arg10[%run_scoped3A_304, %dma_start3A_330] : memref<8x1008xf32, #tpu.memory_space<vmem>> -> memref<1x1000xf32, #tpu.memory_space<vmem>>
        %dma_start3A_332 = tpu.memref_squeeze %dma_start3A_331 : memref<1x1000xf32, #tpu.memory_space<vmem>> -> memref<1000xf32, #tpu.memory_space<vmem>>
        tpu.enqueue_dma source(%dma_start3A_332 : memref<1000xf32, #tpu.memory_space<vmem>>) target(%dma_start3A_329 : memref<1000xf32, #tpu.memory_space<hbm>>) target_semaphore(%run_scoped3A_320 : memref<!tpu.dma_semaphore, #tpu.memory_space<semaphore_mem>>)
        %dma_wait3A_333 = arith.constant 0 : i32
        %dma_wait3A_334 = tpu.memref_slice %arg10[%run_scoped3A_304, %dma_wait3A_333] : memref<8x1008xf32, #tpu.memory_space<vmem>> -> memref<1x1000xf32, #tpu.memory_space<vmem>>
        %dma_wait3A_335 = tpu.memref_squeeze %dma_wait3A_334 : memref<1x1000xf32, #tpu.memory_space<vmem>> -> memref<1000xf32, #tpu.memory_space<vmem>>
        %dma_wait3A_336 = arith.constant 0 : i32
        %dma_wait3A_337 = tpu.memref_slice %arg6[%add3A_303, %dma_wait3A_336] : memref<64x1000xf32, #tpu.memory_space<hbm>> -> memref<1x1000xf32, #tpu.memory_space<hbm>>
        %dma_wait3A_338 = tpu.memref_squeeze %dma_wait3A_337 : memref<1x1000xf32, #tpu.memory_space<hbm>> -> memref<1000xf32, #tpu.memory_space<hbm>>
        %dma_wait3A_339 = arith.constant 0 : i32
        %dma_wait3A_340 = tpu.memref_slice %arg6[%add3A_303, %dma_wait3A_339] : memref<64x1000xf32, #tpu.memory_space<hbm>> -> memref<1x1000xf32, #tpu.memory_space<hbm>>
        %dma_wait3A_341 = tpu.memref_squeeze %dma_wait3A_340 : memref<1x1000xf32, #tpu.memory_space<hbm>> -> memref<1000xf32, #tpu.memory_space<hbm>>
        %dma_wait3A_342 = arith.constant 0 : i32
        %dma_wait3A_343 = tpu.memref_slice %arg10[%run_scoped3A_304, %dma_wait3A_342] : memref<8x1008xf32, #tpu.memory_space<vmem>> -> memref<1x1000xf32, #tpu.memory_space<vmem>>
        %dma_wait3A_344 = tpu.memref_squeeze %dma_wait3A_343 : memref<1x1000xf32, #tpu.memory_space<vmem>> -> memref<1000xf32, #tpu.memory_space<vmem>>
        tpu.wait_dma2 semaphore(%run_scoped3A_320 : memref<!tpu.dma_semaphore, #tpu.memory_space<semaphore_mem>>) src(%dma_wait3A_344 : memref<1000xf32, #tpu.memory_space<vmem>>) dst(%dma_wait3A_341 : memref<1000xf32, #tpu.memory_space<hbm>>)
        tpu.yield
      }) : () -> ()
      %add3A_305 = arith.constant 3 : i32
      %add3A_306 = arith.addi %mul3A_82, %add3A_305 : i32
      %run_scoped3A_307 = arith.constant 3 : i32
      "tpu.region"() ({
        %run_scoped3A_320 = tpu.sem_alloc : memref<!tpu.dma_semaphore, #tpu.memory_space<semaphore_mem>>
        %dma_start3A_321 = arith.constant 0 : i32
        %dma_start3A_322 = tpu.memref_slice %arg10[%run_scoped3A_307, %dma_start3A_321] : memref<8x1008xf32, #tpu.memory_space<vmem>> -> memref<1x1000xf32, #tpu.memory_space<vmem>>
        %dma_start3A_323 = tpu.memref_squeeze %dma_start3A_322 : memref<1x1000xf32, #tpu.memory_space<vmem>> -> memref<1000xf32, #tpu.memory_space<vmem>>
        %dma_start3A_324 = arith.constant 0 : i32
        %dma_start3A_325 = tpu.memref_slice %arg6[%add3A_306, %dma_start3A_324] : memref<64x1000xf32, #tpu.memory_space<hbm>> -> memref<1x1000xf32, #tpu.memory_space<hbm>>
        %dma_start3A_326 = tpu.memref_squeeze %dma_start3A_325 : memref<1x1000xf32, #tpu.memory_space<hbm>> -> memref<1000xf32, #tpu.memory_space<hbm>>
        %dma_start3A_327 = arith.constant 0 : i32
        %dma_start3A_328 = tpu.memref_slice %arg6[%add3A_306, %dma_start3A_327] : memref<64x1000xf32, #tpu.memory_space<hbm>> -> memref<1x1000xf32, #tpu.memory_space<hbm>>
        %dma_start3A_329 = tpu.memref_squeeze %dma_start3A_328 : memref<1x1000xf32, #tpu.memory_space<hbm>> -> memref<1000xf32, #tpu.memory_space<hbm>>
        %dma_start3A_330 = arith.constant 0 : i32
        %dma_start3A_331 = tpu.memref_slice %arg10[%run_scoped3A_307, %dma_start3A_330] : memref<8x1008xf32, #tpu.memory_space<vmem>> -> memref<1x1000xf32, #tpu.memory_space<vmem>>
        %dma_start3A_332 = tpu.memref_squeeze %dma_start3A_331 : memref<1x1000xf32, #tpu.memory_space<vmem>> -> memref<1000xf32, #tpu.memory_space<vmem>>
        tpu.enqueue_dma source(%dma_start3A_332 : memref<1000xf32, #tpu.memory_space<vmem>>) target(%dma_start3A_329 : memref<1000xf32, #tpu.memory_space<hbm>>) target_semaphore(%run_scoped3A_320 : memref<!tpu.dma_semaphore, #tpu.memory_space<semaphore_mem>>)
        %dma_wait3A_333 = arith.constant 0 : i32
        %dma_wait3A_334 = tpu.memref_slice %arg10[%run_scoped3A_307, %dma_wait3A_333] : memref<8x1008xf32, #tpu.memory_space<vmem>> -> memref<1x1000xf32, #tpu.memory_space<vmem>>
        %dma_wait3A_335 = tpu.memref_squeeze %dma_wait3A_334 : memref<1x1000xf32, #tpu.memory_space<vmem>> -> memref<1000xf32, #tpu.memory_space<vmem>>
        %dma_wait3A_336 = arith.constant 0 : i32
        %dma_wait3A_337 = tpu.memref_slice %arg6[%add3A_306, %dma_wait3A_336] : memref<64x1000xf32, #tpu.memory_space<hbm>> -> memref<1x1000xf32, #tpu.memory_space<hbm>>
        %dma_wait3A_338 = tpu.memref_squeeze %dma_wait3A_337 : memref<1x1000xf32, #tpu.memory_space<hbm>> -> memref<1000xf32, #tpu.memory_space<hbm>>
        %dma_wait3A_339 = arith.constant 0 : i32
        %dma_wait3A_340 = tpu.memref_slice %arg6[%add3A_306, %dma_wait3A_339] : memref<64x1000xf32, #tpu.memory_space<hbm>> -> memref<1x1000xf32, #tpu.memory_space<hbm>>
        %dma_wait3A_341 = tpu.memref_squeeze %dma_wait3A_340 : memref<1x1000xf32, #tpu.memory_space<hbm>> -> memref<1000xf32, #tpu.memory_space<hbm>>
        %dma_wait3A_342 = arith.constant 0 : i32
        %dma_wait3A_343 = tpu.memref_slice %arg10[%run_scoped3A_307, %dma_wait3A_342] : memref<8x1008xf32, #tpu.memory_space<vmem>> -> memref<1x1000xf32, #tpu.memory_space<vmem>>
        %dma_wait3A_344 = tpu.memref_squeeze %dma_wait3A_343 : memref<1x1000xf32, #tpu.memory_space<vmem>> -> memref<1000xf32, #tpu.memory_space<vmem>>
        tpu.wait_dma2 semaphore(%run_scoped3A_320 : memref<!tpu.dma_semaphore, #tpu.memory_space<semaphore_mem>>) src(%dma_wait3A_344 : memref<1000xf32, #tpu.memory_space<vmem>>) dst(%dma_wait3A_341 : memref<1000xf32, #tpu.memory_space<hbm>>)
        tpu.yield
      }) : () -> ()
      %add3A_308 = arith.constant 4 : i32
      %add3A_309 = arith.addi %mul3A_82, %add3A_308 : i32
      %run_scoped3A_310 = arith.constant 4 : i32
      "tpu.region"() ({
        %run_scoped3A_320 = tpu.sem_alloc : memref<!tpu.dma_semaphore, #tpu.memory_space<semaphore_mem>>
        %dma_start3A_321 = arith.constant 0 : i32
        %dma_start3A_322 = tpu.memref_slice %arg10[%run_scoped3A_310, %dma_start3A_321] : memref<8x1008xf32, #tpu.memory_space<vmem>> -> memref<1x1000xf32, #tpu.memory_space<vmem>>
        %dma_start3A_323 = tpu.memref_squeeze %dma_start3A_322 : memref<1x1000xf32, #tpu.memory_space<vmem>> -> memref<1000xf32, #tpu.memory_space<vmem>>
        %dma_start3A_324 = arith.constant 0 : i32
        %dma_start3A_325 = tpu.memref_slice %arg6[%add3A_309, %dma_start3A_324] : memref<64x1000xf32, #tpu.memory_space<hbm>> -> memref<1x1000xf32, #tpu.memory_space<hbm>>
        %dma_start3A_326 = tpu.memref_squeeze %dma_start3A_325 : memref<1x1000xf32, #tpu.memory_space<hbm>> -> memref<1000xf32, #tpu.memory_space<hbm>>
        %dma_start3A_327 = arith.constant 0 : i32
        %dma_start3A_328 = tpu.memref_slice %arg6[%add3A_309, %dma_start3A_327] : memref<64x1000xf32, #tpu.memory_space<hbm>> -> memref<1x1000xf32, #tpu.memory_space<hbm>>
        %dma_start3A_329 = tpu.memref_squeeze %dma_start3A_328 : memref<1x1000xf32, #tpu.memory_space<hbm>> -> memref<1000xf32, #tpu.memory_space<hbm>>
        %dma_start3A_330 = arith.constant 0 : i32
        %dma_start3A_331 = tpu.memref_slice %arg10[%run_scoped3A_310, %dma_start3A_330] : memref<8x1008xf32, #tpu.memory_space<vmem>> -> memref<1x1000xf32, #tpu.memory_space<vmem>>
        %dma_start3A_332 = tpu.memref_squeeze %dma_start3A_331 : memref<1x1000xf32, #tpu.memory_space<vmem>> -> memref<1000xf32, #tpu.memory_space<vmem>>
        tpu.enqueue_dma source(%dma_start3A_332 : memref<1000xf32, #tpu.memory_space<vmem>>) target(%dma_start3A_329 : memref<1000xf32, #tpu.memory_space<hbm>>) target_semaphore(%run_scoped3A_320 : memref<!tpu.dma_semaphore, #tpu.memory_space<semaphore_mem>>)
        %dma_wait3A_333 = arith.constant 0 : i32
        %dma_wait3A_334 = tpu.memref_slice %arg10[%run_scoped3A_310, %dma_wait3A_333] : memref<8x1008xf32, #tpu.memory_space<vmem>> -> memref<1x1000xf32, #tpu.memory_space<vmem>>
        %dma_wait3A_335 = tpu.memref_squeeze %dma_wait3A_334 : memref<1x1000xf32, #tpu.memory_space<vmem>> -> memref<1000xf32, #tpu.memory_space<vmem>>
        %dma_wait3A_336 = arith.constant 0 : i32
        %dma_wait3A_337 = tpu.memref_slice %arg6[%add3A_309, %dma_wait3A_336] : memref<64x1000xf32, #tpu.memory_space<hbm>> -> memref<1x1000xf32, #tpu.memory_space<hbm>>
        %dma_wait3A_338 = tpu.memref_squeeze %dma_wait3A_337 : memref<1x1000xf32, #tpu.memory_space<hbm>> -> memref<1000xf32, #tpu.memory_space<hbm>>
        %dma_wait3A_339 = arith.constant 0 : i32
        %dma_wait3A_340 = tpu.memref_slice %arg6[%add3A_309, %dma_wait3A_339] : memref<64x1000xf32, #tpu.memory_space<hbm>> -> memref<1x1000xf32, #tpu.memory_space<hbm>>
        %dma_wait3A_341 = tpu.memref_squeeze %dma_wait3A_340 : memref<1x1000xf32, #tpu.memory_space<hbm>> -> memref<1000xf32, #tpu.memory_space<hbm>>
        %dma_wait3A_342 = arith.constant 0 : i32
        %dma_wait3A_343 = tpu.memref_slice %arg10[%run_scoped3A_310, %dma_wait3A_342] : memref<8x1008xf32, #tpu.memory_space<vmem>> -> memref<1x1000xf32, #tpu.memory_space<vmem>>
        %dma_wait3A_344 = tpu.memref_squeeze %dma_wait3A_343 : memref<1x1000xf32, #tpu.memory_space<vmem>> -> memref<1000xf32, #tpu.memory_space<vmem>>
        tpu.wait_dma2 semaphore(%run_scoped3A_320 : memref<!tpu.dma_semaphore, #tpu.memory_space<semaphore_mem>>) src(%dma_wait3A_344 : memref<1000xf32, #tpu.memory_space<vmem>>) dst(%dma_wait3A_341 : memref<1000xf32, #tpu.memory_space<hbm>>)
        tpu.yield
      }) : () -> ()
      %add3A_311 = arith.constant 5 : i32
      %add3A_312 = arith.addi %mul3A_82, %add3A_311 : i32
      %run_scoped3A_313 = arith.constant 5 : i32
      "tpu.region"() ({
        %run_scoped3A_320 = tpu.sem_alloc : memref<!tpu.dma_semaphore, #tpu.memory_space<semaphore_mem>>
        %dma_start3A_321 = arith.constant 0 : i32
        %dma_start3A_322 = tpu.memref_slice %arg10[%run_scoped3A_313, %dma_start3A_321] : memref<8x1008xf32, #tpu.memory_space<vmem>> -> memref<1x1000xf32, #tpu.memory_space<vmem>>
        %dma_start3A_323 = tpu.memref_squeeze %dma_start3A_322 : memref<1x1000xf32, #tpu.memory_space<vmem>> -> memref<1000xf32, #tpu.memory_space<vmem>>
        %dma_start3A_324 = arith.constant 0 : i32
        %dma_start3A_325 = tpu.memref_slice %arg6[%add3A_312, %dma_start3A_324] : memref<64x1000xf32, #tpu.memory_space<hbm>> -> memref<1x1000xf32, #tpu.memory_space<hbm>>
        %dma_start3A_326 = tpu.memref_squeeze %dma_start3A_325 : memref<1x1000xf32, #tpu.memory_space<hbm>> -> memref<1000xf32, #tpu.memory_space<hbm>>
        %dma_start3A_327 = arith.constant 0 : i32
        %dma_start3A_328 = tpu.memref_slice %arg6[%add3A_312, %dma_start3A_327] : memref<64x1000xf32, #tpu.memory_space<hbm>> -> memref<1x1000xf32, #tpu.memory_space<hbm>>
        %dma_start3A_329 = tpu.memref_squeeze %dma_start3A_328 : memref<1x1000xf32, #tpu.memory_space<hbm>> -> memref<1000xf32, #tpu.memory_space<hbm>>
        %dma_start3A_330 = arith.constant 0 : i32
        %dma_start3A_331 = tpu.memref_slice %arg10[%run_scoped3A_313, %dma_start3A_330] : memref<8x1008xf32, #tpu.memory_space<vmem>> -> memref<1x1000xf32, #tpu.memory_space<vmem>>
        %dma_start3A_332 = tpu.memref_squeeze %dma_start3A_331 : memref<1x1000xf32, #tpu.memory_space<vmem>> -> memref<1000xf32, #tpu.memory_space<vmem>>
        tpu.enqueue_dma source(%dma_start3A_332 : memref<1000xf32, #tpu.memory_space<vmem>>) target(%dma_start3A_329 : memref<1000xf32, #tpu.memory_space<hbm>>) target_semaphore(%run_scoped3A_320 : memref<!tpu.dma_semaphore, #tpu.memory_space<semaphore_mem>>)
        %dma_wait3A_333 = arith.constant 0 : i32
        %dma_wait3A_334 = tpu.memref_slice %arg10[%run_scoped3A_313, %dma_wait3A_333] : memref<8x1008xf32, #tpu.memory_space<vmem>> -> memref<1x1000xf32, #tpu.memory_space<vmem>>
        %dma_wait3A_335 = tpu.memref_squeeze %dma_wait3A_334 : memref<1x1000xf32, #tpu.memory_space<vmem>> -> memref<1000xf32, #tpu.memory_space<vmem>>
        %dma_wait3A_336 = arith.constant 0 : i32
        %dma_wait3A_337 = tpu.memref_slice %arg6[%add3A_312, %dma_wait3A_336] : memref<64x1000xf32, #tpu.memory_space<hbm>> -> memref<1x1000xf32, #tpu.memory_space<hbm>>
        %dma_wait3A_338 = tpu.memref_squeeze %dma_wait3A_337 : memref<1x1000xf32, #tpu.memory_space<hbm>> -> memref<1000xf32, #tpu.memory_space<hbm>>
        %dma_wait3A_339 = arith.constant 0 : i32
        %dma_wait3A_340 = tpu.memref_slice %arg6[%add3A_312, %dma_wait3A_339] : memref<64x1000xf32, #tpu.memory_space<hbm>> -> memref<1x1000xf32, #tpu.memory_space<hbm>>
        %dma_wait3A_341 = tpu.memref_squeeze %dma_wait3A_340 : memref<1x1000xf32, #tpu.memory_space<hbm>> -> memref<1000xf32, #tpu.memory_space<hbm>>
        %dma_wait3A_342 = arith.constant 0 : i32
        %dma_wait3A_343 = tpu.memref_slice %arg10[%run_scoped3A_313, %dma_wait3A_342] : memref<8x1008xf32, #tpu.memory_space<vmem>> -> memref<1x1000xf32, #tpu.memory_space<vmem>>
        %dma_wait3A_344 = tpu.memref_squeeze %dma_wait3A_343 : memref<1x1000xf32, #tpu.memory_space<vmem>> -> memref<1000xf32, #tpu.memory_space<vmem>>
        tpu.wait_dma2 semaphore(%run_scoped3A_320 : memref<!tpu.dma_semaphore, #tpu.memory_space<semaphore_mem>>) src(%dma_wait3A_344 : memref<1000xf32, #tpu.memory_space<vmem>>) dst(%dma_wait3A_341 : memref<1000xf32, #tpu.memory_space<hbm>>)
        tpu.yield
      }) : () -> ()
      %add3A_314 = arith.constant 6 : i32
      %add3A_315 = arith.addi %mul3A_82, %add3A_314 : i32
      %run_scoped3A_316 = arith.constant 6 : i32
      "tpu.region"() ({
        %run_scoped3A_320 = tpu.sem_alloc : memref<!tpu.dma_semaphore, #tpu.memory_space<semaphore_mem>>
        %dma_start3A_321 = arith.constant 0 : i32
        %dma_start3A_322 = tpu.memref_slice %arg10[%run_scoped3A_316, %dma_start3A_321] : memref<8x1008xf32, #tpu.memory_space<vmem>> -> memref<1x1000xf32, #tpu.memory_space<vmem>>
        %dma_start3A_323 = tpu.memref_squeeze %dma_start3A_322 : memref<1x1000xf32, #tpu.memory_space<vmem>> -> memref<1000xf32, #tpu.memory_space<vmem>>
        %dma_start3A_324 = arith.constant 0 : i32
        %dma_start3A_325 = tpu.memref_slice %arg6[%add3A_315, %dma_start3A_324] : memref<64x1000xf32, #tpu.memory_space<hbm>> -> memref<1x1000xf32, #tpu.memory_space<hbm>>
        %dma_start3A_326 = tpu.memref_squeeze %dma_start3A_325 : memref<1x1000xf32, #tpu.memory_space<hbm>> -> memref<1000xf32, #tpu.memory_space<hbm>>
        %dma_start3A_327 = arith.constant 0 : i32
        %dma_start3A_328 = tpu.memref_slice %arg6[%add3A_315, %dma_start3A_327] : memref<64x1000xf32, #tpu.memory_space<hbm>> -> memref<1x1000xf32, #tpu.memory_space<hbm>>
        %dma_start3A_329 = tpu.memref_squeeze %dma_start3A_328 : memref<1x1000xf32, #tpu.memory_space<hbm>> -> memref<1000xf32, #tpu.memory_space<hbm>>
        %dma_start3A_330 = arith.constant 0 : i32
        %dma_start3A_331 = tpu.memref_slice %arg10[%run_scoped3A_316, %dma_start3A_330] : memref<8x1008xf32, #tpu.memory_space<vmem>> -> memref<1x1000xf32, #tpu.memory_space<vmem>>
        %dma_start3A_332 = tpu.memref_squeeze %dma_start3A_331 : memref<1x1000xf32, #tpu.memory_space<vmem>> -> memref<1000xf32, #tpu.memory_space<vmem>>
        tpu.enqueue_dma source(%dma_start3A_332 : memref<1000xf32, #tpu.memory_space<vmem>>) target(%dma_start3A_329 : memref<1000xf32, #tpu.memory_space<hbm>>) target_semaphore(%run_scoped3A_320 : memref<!tpu.dma_semaphore, #tpu.memory_space<semaphore_mem>>)
        %dma_wait3A_333 = arith.constant 0 : i32
        %dma_wait3A_334 = tpu.memref_slice %arg10[%run_scoped3A_316, %dma_wait3A_333] : memref<8x1008xf32, #tpu.memory_space<vmem>> -> memref<1x1000xf32, #tpu.memory_space<vmem>>
        %dma_wait3A_335 = tpu.memref_squeeze %dma_wait3A_334 : memref<1x1000xf32, #tpu.memory_space<vmem>> -> memref<1000xf32, #tpu.memory_space<vmem>>
        %dma_wait3A_336 = arith.constant 0 : i32
        %dma_wait3A_337 = tpu.memref_slice %arg6[%add3A_315, %dma_wait3A_336] : memref<64x1000xf32, #tpu.memory_space<hbm>> -> memref<1x1000xf32, #tpu.memory_space<hbm>>
        %dma_wait3A_338 = tpu.memref_squeeze %dma_wait3A_337 : memref<1x1000xf32, #tpu.memory_space<hbm>> -> memref<1000xf32, #tpu.memory_space<hbm>>
        %dma_wait3A_339 = arith.constant 0 : i32
        %dma_wait3A_340 = tpu.memref_slice %arg6[%add3A_315, %dma_wait3A_339] : memref<64x1000xf32, #tpu.memory_space<hbm>> -> memref<1x1000xf32, #tpu.memory_space<hbm>>
        %dma_wait3A_341 = tpu.memref_squeeze %dma_wait3A_340 : memref<1x1000xf32, #tpu.memory_space<hbm>> -> memref<1000xf32, #tpu.memory_space<hbm>>
        %dma_wait3A_342 = arith.constant 0 : i32
        %dma_wait3A_343 = tpu.memref_slice %arg10[%run_scoped3A_316, %dma_wait3A_342] : memref<8x1008xf32, #tpu.memory_space<vmem>> -> memref<1x1000xf32, #tpu.memory_space<vmem>>
        %dma_wait3A_344 = tpu.memref_squeeze %dma_wait3A_343 : memref<1x1000xf32, #tpu.memory_space<vmem>> -> memref<1000xf32, #tpu.memory_space<vmem>>
        tpu.wait_dma2 semaphore(%run_scoped3A_320 : memref<!tpu.dma_semaphore, #tpu.memory_space<semaphore_mem>>) src(%dma_wait3A_344 : memref<1000xf32, #tpu.memory_space<vmem>>) dst(%dma_wait3A_341 : memref<1000xf32, #tpu.memory_space<hbm>>)
        tpu.yield
      }) : () -> ()
      %add3A_317 = arith.constant 7 : i32
      %add3A_318 = arith.addi %mul3A_82, %add3A_317 : i32
      %run_scoped3A_319 = arith.constant 7 : i32
      "tpu.region"() ({
        %run_scoped3A_320 = tpu.sem_alloc : memref<!tpu.dma_semaphore, #tpu.memory_space<semaphore_mem>>
        %dma_start3A_321 = arith.constant 0 : i32
        %dma_start3A_322 = tpu.memref_slice %arg10[%run_scoped3A_319, %dma_start3A_321] : memref<8x1008xf32, #tpu.memory_space<vmem>> -> memref<1x1000xf32, #tpu.memory_space<vmem>>
        %dma_start3A_323 = tpu.memref_squeeze %dma_start3A_322 : memref<1x1000xf32, #tpu.memory_space<vmem>> -> memref<1000xf32, #tpu.memory_space<vmem>>
        %dma_start3A_324 = arith.constant 0 : i32
        %dma_start3A_325 = tpu.memref_slice %arg6[%add3A_318, %dma_start3A_324] : memref<64x1000xf32, #tpu.memory_space<hbm>> -> memref<1x1000xf32, #tpu.memory_space<hbm>>
        %dma_start3A_326 = tpu.memref_squeeze %dma_start3A_325 : memref<1x1000xf32, #tpu.memory_space<hbm>> -> memref<1000xf32, #tpu.memory_space<hbm>>
        %dma_start3A_327 = arith.constant 0 : i32
        %dma_start3A_328 = tpu.memref_slice %arg6[%add3A_318, %dma_start3A_327] : memref<64x1000xf32, #tpu.memory_space<hbm>> -> memref<1x1000xf32, #tpu.memory_space<hbm>>
        %dma_start3A_329 = tpu.memref_squeeze %dma_start3A_328 : memref<1x1000xf32, #tpu.memory_space<hbm>> -> memref<1000xf32, #tpu.memory_space<hbm>>
        %dma_start3A_330 = arith.constant 0 : i32
        %dma_start3A_331 = tpu.memref_slice %arg10[%run_scoped3A_319, %dma_start3A_330] : memref<8x1008xf32, #tpu.memory_space<vmem>> -> memref<1x1000xf32, #tpu.memory_space<vmem>>
        %dma_start3A_332 = tpu.memref_squeeze %dma_start3A_331 : memref<1x1000xf32, #tpu.memory_space<vmem>> -> memref<1000xf32, #tpu.memory_space<vmem>>
        tpu.enqueue_dma source(%dma_start3A_332 : memref<1000xf32, #tpu.memory_space<vmem>>) target(%dma_start3A_329 : memref<1000xf32, #tpu.memory_space<hbm>>) target_semaphore(%run_scoped3A_320 : memref<!tpu.dma_semaphore, #tpu.memory_space<semaphore_mem>>)
        %dma_wait3A_333 = arith.constant 0 : i32
        %dma_wait3A_334 = tpu.memref_slice %arg10[%run_scoped3A_319, %dma_wait3A_333] : memref<8x1008xf32, #tpu.memory_space<vmem>> -> memref<1x1000xf32, #tpu.memory_space<vmem>>
        %dma_wait3A_335 = tpu.memref_squeeze %dma_wait3A_334 : memref<1x1000xf32, #tpu.memory_space<vmem>> -> memref<1000xf32, #tpu.memory_space<vmem>>
        %dma_wait3A_336 = arith.constant 0 : i32
        %dma_wait3A_337 = tpu.memref_slice %arg6[%add3A_318, %dma_wait3A_336] : memref<64x1000xf32, #tpu.memory_space<hbm>> -> memref<1x1000xf32, #tpu.memory_space<hbm>>
        %dma_wait3A_338 = tpu.memref_squeeze %dma_wait3A_337 : memref<1x1000xf32, #tpu.memory_space<hbm>> -> memref<1000xf32, #tpu.memory_space<hbm>>
        %dma_wait3A_339 = arith.constant 0 : i32
        %dma_wait3A_340 = tpu.memref_slice %arg6[%add3A_318, %dma_wait3A_339] : memref<64x1000xf32, #tpu.memory_space<hbm>> -> memref<1x1000xf32, #tpu.memory_space<hbm>>
        %dma_wait3A_341 = tpu.memref_squeeze %dma_wait3A_340 : memref<1x1000xf32, #tpu.memory_space<hbm>> -> memref<1000xf32, #tpu.memory_space<hbm>>
        %dma_wait3A_342 = arith.constant 0 : i32
        %dma_wait3A_343 = tpu.memref_slice %arg10[%run_scoped3A_319, %dma_wait3A_342] : memref<8x1008xf32, #tpu.memory_space<vmem>> -> memref<1x1000xf32, #tpu.memory_space<vmem>>
        %dma_wait3A_344 = tpu.memref_squeeze %dma_wait3A_343 : memref<1x1000xf32, #tpu.memory_space<vmem>> -> memref<1000xf32, #tpu.memory_space<vmem>>
        tpu.wait_dma2 semaphore(%run_scoped3A_320 : memref<!tpu.dma_semaphore, #tpu.memory_space<semaphore_mem>>) src(%dma_wait3A_344 : memref<1000xf32, #tpu.memory_space<vmem>>) dst(%dma_wait3A_341 : memref<1000xf32, #tpu.memory_space<hbm>>)
        tpu.yield
      }) : () -> ()
    } else {
    }
    return
  }
}

</mosaic_0001>

<sc_bundles>
// kernel: kernel.3.cloned.1.call-start
scs
__scs_entry_jumppad:
0x0: {  	(pc) =	sbr.rel $0x88, $3  }
0x1: {  	(tag) =	ssettag $0x0;
	lr =	simm.s32 $0x1  }
0x2: {  	[smem:$0x3F9D] =	sst lr;
	_ =	strace $0xD0000000  }
0x3: {  	_ = 	snop  }
0x4: {  	_ = 	snop  }
0x5: {  	_ = 	snop  }
0x6: {  	_ = 	snop  }
0x7: {  	_ = 	snop  }
__scs_overlays_trampoline_lowered:
0x8: {  	[smem:$0x3FAC] =	sst s0  }
0x9: {  	[smem:$0x3FAD] =	sst s1  }
0xa: {  	[smem:$0x3FAE] =	sst s2  }
0xb: {  	[smem:$0x3FAF] =	sst s3  }
0xc: {  	[smem:$0x3FB0] =	sst s4  }
0xd: {  	[smem:$0x3FB1] =	sst s5  }
0xe: {  	[smem:$0x3FB2] =	sst s6  }
0xf: {  	[smem:$0x3FB3] =	sst s7  }
0x10: {  	[smem:$0x3FB4] =	sst s8  }
0x11: {  	[smem:$0x3FB5] =	sst s9;
	s0 =	simm.s32 @!p0 $0x0  }
0x12: {  	s1 =	sld [smem:$0x3F9B];
	s0 =	simm.s32 @p0 $0x1  }
0x13: {  	[smem:$0x3FB6] =	sst s0;
	s0 =	simm.s32 @!p1 $0x0  }
0x14: {  	s2 =	sld [smem:$0x3F9A];
	s0 =	simm.s32 @p1 $0x1  }
0x15: {  	[smem:$0x3FB7] =	sst s0;
	s0 =	simm.s32 @!p2 $0x0  }
0x16: {  	s3 =	sld [smem:$0x3FDB];
	s0 =	simm.s32 @p2 $0x1  }
0x17: {  	s4 =	simm.s32 $0x1BF5;
	[smem:$0x3FB9] =	sst s0  }
0x18: {  	s0 =	sld [smem:$0x3F9C];
	_ =	swait.ge [sflag:s4], $0x0  }
0x19: {  	s7 =	sld [smem:$0x3F9D]  }
0x1a: {  	s8 =	sadd.s32 $0xFFFFE003, lr  }
0x1b: {  	s9 =	sadd.s32 $0xFFFFFEF7, lr;
	s5 =	simm.s32 $0xFFFFFFFF;
	p2 =	slt.u32 s8, $0xFFFFF086  }
0x1c: {  	p1 =	slt.u32 s9, $0xF7A;
	s5 =	simm.s32 @!p2 $0x0  }
0x1d: {  	s5 =	simm.s32 @p1 $0x1;
	p0 =	seq.s32 s7, s2  }
0x1e: {  	s7 =	smul.u32 @!p0 $0xF7A, s2;
	p2 =	seq.s32 @!p0 s5, $0x0  }
0x1f: {  	s9 =	smul.u32 $0xF7A, s1;
	s8 =	simm.s32 @!p0 $0x1BF5;
	p2 =	por !p2, p0  }
0x20: {  	[sflag:s8] =	ssyncset.s32 @!p0 $0xFFFFF086;
	s6 =	sadd.s32 @!p0 s3, s7;
	s7 =	simm.s32 @!p0 $0x108  }
0x21: {  	s3 =	sadd.s32 s3, s9;
	s6 =	sadd.s32 @!p0 $0x88, s6;
	s7 =	simm.s32 @p2 $0x1082  }
0x22: {  	[simem:s7], [sflag:s8] =	dma.local @!p0 [hbm:s6], $0xF7A  }
0x23: {  	s9 =	sor.u32 $0xD0000000, s2;
	s6 =	simm.s32 $0x108;
	_ =	swait.ge @!p0 [sflag:s8], $0x0  }
0x24: {  	s3 =	sadd.s32 $0x88, s3;
	s6 =	simm.s32 @!p1 $0x1082;
	[sflag:s4] =	ssyncset.s32 $0xFFFFF086  }
0x25: {  	[simem:s6], [sflag:s4] =	dma.local [hbm:s3], $0xF7A  }
0x26: {  	[smem:$0x3F9D] =	sst s1;
	(tag) =	ssettag s2;
	_ =	strace s9  }
0x27: {  	s1 =	sld [smem:$0x3FAD]  }
0x28: {  	s2 =	sld [smem:$0x3FAE]  }
0x29: {  	s4 =	sld [smem:$0x3FB0]  }
0x2a: {  	p0 =	seq.s32 s5, $0x0;
	s5 =	sld [smem:$0x3FB1]  }
0x2b: {  	s6 =	sld [smem:$0x3FB2]  }
0x2c: {  	s7 =	sld [smem:$0x3FB3]  }
0x2d: {  	s3 =	simm.s32 $0x108;
	s8 =	sld [smem:$0x3FB4]  }
0x2e: {  	s3 =	simm.s32 @!p0 $0x1082;
	s9 =	sld [smem:$0x3FB5]  }
0x2f: {  	lr =	sadd.s32 s0, s3;
	s0 =	sld [smem:$0x3FAC]  }
0x30: {  	s3 =	sld [smem:$0x3FAF]  }
0x31: {  	[smem:$0x3FB8] =	sst s10  }
0x32: {  	s10 =	sld [smem:$0x3FB6];
	_ =	sdelay $0x3  }
0x33: {  	p0 =	seq.s32 s10, $0x1;
	s10 =	sld [smem:$0x3FB8];
	_ =	sdelay $0x3  }
0x34: {  	[smem:$0x3FB8] =	sst s10  }
0x35: {  	s10 =	sld [smem:$0x3FB7];
	_ =	sdelay $0x3  }
0x36: {  	p1 =	seq.s32 s10, $0x1;
	s10 =	sld [smem:$0x3FB8];
	_ =	sdelay $0x3  }
0x37: {  	[smem:$0x3FB8] =	sst s10  }
0x38: {  	s10 =	sld [smem:$0x3FB9]  }
0x39: {  	_ = 	snop;
	(pc) =	sbr.ind lr, $3  }
0x3a: {  	_ = 	snop  }
0x3b: {  	_ = 	snop  }
0x3c: {  	p2 =	seq.s32 s10, $0x1;
	s10 =	sld [smem:$0x3FB8]  }
0x3d: {  	_ =	shalt  }
0x3e: {  	_ =	shalt  }
0x3f: {  	_ =	shalt  }
0x40: {  	_ =	shalt  }
0x41: {  	_ =	shalt  }
0x42: {  	_ =	shalt  }
0x43: {  	_ =	shalt  }
0x44: {  	_ =	shalt  }
0x45: {  	_ =	shalt  }
0x46: {  	_ =	shalt  }
0x47: {  	_ =	shalt  }
0x48: {  	_ =	shalt  }
0x49: {  	_ =	shalt  }
0x4a: {  	_ =	shalt  }
0x4b: {  	_ =	shalt  }
0x4c: {  	_ =	shalt  }
0x4d: {  	_ =	shalt  }
0x4e: {  	_ =	shalt  }
0x4f: {  	_ =	shalt  }
0x50: {  	_ =	shalt  }
0x51: {  	_ =	shalt  }
0x52: {  	_ =	shalt  }
0x53: {  	_ =	shalt  }
0x54: {  	_ =	shalt  }
0x55: {  	_ =	shalt  }
0x56: {  	_ =	shalt  }
0x57: {  	_ =	shalt  }
0x58: {  	_ =	shalt  }
0x59: {  	_ =	shalt  }
0x5a: {  	_ =	shalt  }
0x5b: {  	_ =	shalt  }
0x5c: {  	_ =	shalt  }
0x5d: {  	_ =	shalt  }
0x5e: {  	_ =	shalt  }
0x5f: {  	_ =	shalt  }
0x60: {  	_ =	shalt  }
0x61: {  	_ =	shalt  }
0x62: {  	_ =	shalt  }
0x63: {  	_ =	shalt  }
0x64: {  	_ =	shalt  }
0x65: {  	_ =	shalt  }
0x66: {  	_ =	shalt  }
0x67: {  	_ =	shalt  }
0x68: {  	_ =	shalt  }
0x69: {  	_ =	shalt  }
0x6a: {  	_ =	shalt  }
0x6b: {  	_ =	shalt  }
0x6c: {  	_ =	shalt  }
0x6d: {  	_ =	shalt  }
0x6e: {  	_ =	shalt  }
0x6f: {  	_ =	shalt  }
0x70: {  	_ =	shalt  }
0x71: {  	_ =	shalt  }
0x72: {  	_ =	shalt  }
0x73: {  	_ =	shalt  }
0x74: {  	_ =	shalt  }
0x75: {  	_ =	shalt  }
0x76: {  	_ =	shalt  }
0x77: {  	_ =	shalt  }
0x78: {  	_ =	shalt  }
0x79: {  	_ =	shalt  }
0x7a: {  	_ =	shalt  }
0x7b: {  	_ =	shalt  }
0x7c: {  	_ =	shalt  }
0x7d: {  	_ =	shalt  }
0x7e: {  	_ =	shalt  }
0x7f: {  	_ =	shalt  }
0x80: {  	_ =	shalt  }
0x81: {  	_ =	shalt  }
0x82: {  	_ =	shalt  }
0x83: {  	_ =	shalt  }
0x84: {  	_ =	shalt  }
0x85: {  	_ =	shalt  }
0x86: {  	_ =	shalt  }
0x87: {  	_ =	shalt  }
.Lfunc_end0:
.L_simem_size_0:
called_computation_lowered:
.L_overlay_start_0:
0x88: {  	s2 =	sld [smem:$0x3FD9]  }
0x89: {  	s3 =	sld [smem:$0x3FFE];
	_ =	sdelay $0x1  }
0x8a: {  	s1 =	srdreg.scid  }
0x8b: {  	s0 =	sand.u32 $0x1, s1  }
0x8c: {  	s17 =	sshll.u32 s0, $0xA;
	s2 =	sadd.s32 s3, s2  }
0x8d: {  	s2 =	sadd.s32 s2, s17  }
0x8e: {  	[smem:$0x3FC4] =	sst s2  }
0x8f: {  	_ = 	snop  }
0x90: {  	s2 =	sld [smem:$0x3FC8]  }
0x91: {  	s18 =	sld [smem:$0x3FC7]  }
0x92: {  	s4 =	sld [smem:$0x3FC6];
	(tm) =	ssettm $0x1  }
0x93: {  	s5 =	sld [smem:$0x3FFB];
	_ =	sdelay $0x3  }
0x94: {  	_ =	strace s5  }
0x95: {  	s5 =	sld [smem:$0x3FFC];
	_ =	sdelay $0x3  }
0x96: {  	_ =	strace s5  }
0x97: {  	s5 =	sld [smem:$0x3FFD];
	_ =	sdelay $0x3  }
0x98: {  	_ =	strace s5  }
0x99: {  	_ =	strace $0x8FFFFFFF  }
0x9a: {  	s19 =	sld [smem:$0x3FDB];
	_ =	sdelay $0x1  }
0x9b: {  	s6 =	simm.s32 $_scs_section_size  }
0x9c: {  	s7 =	simm.s32 $_size__tile_overlayer_lowered;
	s8 =	simm.s32 $_tile_overlayer_lowered  }
0x9d: {  	s22 =	simm.s32 $0x1BFF;
	s21 =	sshll.u32 s8, $0x1;
	s5 =	sadd.s32 s6, s19  }
0x9e: {  	s9 =	simm.s32 $0x0;
	s20 =	sshll.u32 s7, $0x1;
	s7 =	sadd.s32 s21, s5  }
0x9f: {  	[timem:s9], [sflag:s22] =	dma.local [hbm:s7], s20  }
0xa0: {  	_ =	swait.ge [sflag:s22], s20  }
0xa1: {  	s6 =	ssub.s32 $0x0, s20;
	[sflag:s22] =	ssyncset.done $0x0  }
0xa2: {  	[sflag:s22] =	ssyncadd.s32 s6;
	_ =	sdelay $0x1  }
0xa3: {  	s23 =	simm.s32 $0x1B8B  }
0xa4: {  	_ =	swait.ge [sflag:s23], $0x1  }
0xa5: {  	[sflag:s23] =	ssyncset.done $0x0  }
0xa6: {  	s25 =	simm.s32 $0x1B8E;
	s24 =	sld [smem:$0x3FFE];
	[sflag:s23] =	ssyncadd.s32 $0xFFFFFFFF  }
0xa7: {  	s26 =	simm.s32 $execute0_lowered;
	[smem:$0x3FD2] =	sst s25  }
0xa8: {  	s7 =	sshll.u32 s26, $0x1;
	_ =	strace $0x80000046;
	[dreg:$0x1] =	wrdreg $0xFFFFFFFF  }
0xa9: {  	s28 =	simm.s32 $_size_execute0_lowered;
	s5 =	sadd.s32 s5, s7;
	[dreg:$0x0] =	wrdreg $0x0  }
0xaa: {  	s7 =	sshll.u32 s28, $0x1;
	[dreg:$0x2] =	wrdreg s5  }
0xab: {  	[dreg:$0x3] =	wrdreg s7  }
0xac: {  	[dreg:$0x4] =	wrdreg $0xC0  }
0xad: {  	_ =	task [dreg:s9], $0x5FFFF  }
0xae: {  	[dreg:$0x1] =	wrdreg $0xFFFFFFFF  }
0xaf: {  	[dreg:$0x0] =	wrdreg $0x60  }
0xb0: {  	[dreg:$0x2] =	wrdreg s24  }
0xb1: {  	[dreg:$0x3] =	wrdreg s2  }
0xb2: {  	[dreg:$0x4] =	wrdreg s18  }
0xb3: {  	[dreg:$0x5] =	wrdreg s4  }
0xb4: {  	[dreg:$0x6] =	wrdreg $0x9  }
0xb5: {  	_ =	task.clear_ibuf [dreg:s9], $0x7FFFF;
	_ =	strace $0x90000046  }
0xb6: {  	s29 =	simm.s32 $0x9;
	_ =	strace $0x80000048  }
0xb7: {  	_ =	swait.ge [sflag:s29], $0x1  }
0xb8: {  	[sflag:s29] =	ssyncadd.s32 $0xFFFFFFFF  }
0xb9: {  	_ =	strace $0x90000048  }
0xba: {  	_ =	sfence  }
0xbb: {  	s30 =	sld [smem:$0x0];
	_ =	sdelay $0x2  }
0xbc: {  	s31 =	sshll.u32 s1, $0xD;
	s1 =	sshrl.u32 s1, $0x2  }
0xbd: {  	s3 =	sand.u32 $0x4000, s31;
	s1 =	sadd.s32 s1, s30  }
0xbe: {  	s0 =	sor.u32 s3, s0;
	s1 =	sshll.u32 s1, $0x11  }
0xbf: {  	s0 =	sor.u32 s1, s0  }
0xc0: {  	s0 =	sadd.s32 $0x8F2B, s0  }
0xc1: {  	[sflag:s0] =	ssyncadd.remote.s32 $0x1  }
0xc2: {  	_ =	sfence.sel $0xFFFF  }
0xc3: {  	[dreg:$0x0] =	wrdreg $0xFFFFFFFF;
	(pc) =	sbr.abs _section_cstart, $3  }
0xc4: {  	[dreg:$0x1] =	wrdreg $0xFFFFFFFF  }
0xc5: {  	_ =	task.clear_ibuf [dreg:s9], $0x2FFFF;
	_ =	strace $0x9FFFFFFF  }
0xc6: {  	(tm) =	ssettm $0x7FFFFFFF  }
0xc7: {  	_ =	shalt  }
tec
execute0_lowered:
.L_overlay_start_1:
0x0: {  	(tag) =	ssettag $0x1  }
0x1: {  	s1 =	stileid.u32  }
0x2: {  	p0 =	sgt.u32 s1, $0x3  }
.Ltmp0:
0x3: {  	_ = 	snop;
	(pc) =	sbr.rel @p0 .LBB2_19-.Ltmp0, $4  }
0x4: {  	_ = 	snop  }
0x5: {  	s0 =	rddreg [dreg:$0x0];
	s5 =	simm.s32 $0x0  }
0x6: {  	[smem:$0x7FF] =	sst s5  }
0x7: {  	s4 =	rddreg [dreg:$0x3];
	_ =	strace $0x80000047  }
0x8: {  	s1 =	srdreg.scid;
	s2 =	stileid.u32;
	s15 =	sadd.s32 $0x400, s0  }
0x9: {  	s6 =	sadd.s32 $0x1000400, s0;
	s17 =	simm.s32 $0x2;
	s18 =	simm.s32 $0x3F40  }
0xa: {  	s19 =	simm.s32 $0x4328;
	s20 =	simm.s32 $0x8;
	s21 =	simm.s32 $0x80  }
0xb: {  	s22 =	simm.s32 $0x1;
	s1 =	sand.u32 $0x1, s1;
	s2 =	sshll.u32 s2, $0x1  }
0xc: {  	s23 =	simm.s32 $0x1FC0;
	s28 =	simm.s32 $0x2F80;
	s2 =	sor.u32 s1, s2  }
0xd: {  	s29 =	simm.s32 $0x3370;
	s30 =	simm.s32 $0x3760;
	s8 =	smul.u32 $0x3E8, s2  }
0xe: {  	s1 =	ssub.s32 $0x2, s1;
	s7 =	sshll.u32 s2, $0x3;
	s2 =	smul.u32 $0x1F40, s2  }
0xf: {  	s31 =	simm.s32 $0x3B50;
	s16 =	sshrl.u32 s1, $0x1;
	s7 =	sadd.s32 $0x40, s7  }
0x10: {  	s1 =	ssub.s32 s1, s16;
	s8 =	sadd.s32 s15, s8;
	s24 =	sadd.s32 $0x3E8, s2  }
0x11: {  	s9 =	sshrl.u32 s2, $0x3;
	s10 =	sadd.s32 $0xBB8, s2;
	s25 =	sadd.s32 $0x1388, s2  }
0x12: {  	s2 =	sadd.s32 $0x1B58, s2;
	s16 =	smax.u32 s1, $0x1;
	s0 =	sshrl.u32 s24, $0x3  }
0x13: {  	s14 =	sadd.s32 s15, s9;
	s11 =	sshrl.u32 s10, $0x3;
	s26 =	sshrl.u32 s2, $0x3  }
0x14: {  	v0 =	vlaneseq.u32;
	s24 =	simm.s32 $0x23B0;
	s9 =	sadd.s32 s15, s0;
	s10 =	sadd.s32 $0xFA, s14  }
0x15: {  	v0 =	vmul.u32 $0x800, v0;
	s11 =	sadd.s32 s15, s11;
	s12 =	sadd.s32 $0x1F4, s14;
	s0 =	sshrl.u32 s25, $0x3  }
0x16: {  	s14 =	sadd.s32 $0x2EE, s14;
	s25 =	simm.s32 $0x27A0;
	s13 =	sadd.s32 s15, s0  }
0x17: {  	v1 =	vor.u32 $0x8000, v0;
	v2 =	vor.u32 $0x10000, v0;
	v3 =	vor.u32 $0x18000, v0;
	s15 =	sadd.s32 s15, s26;
	s26 =	simm.s32 $0x2B90;
	s0 =	simm.s32 $0x0  }
.LBB2_2:
0x18: {  	s1 =	simm.s32 $0x0;
	s2 =	rddreg [dreg:$0x1]  }
0x19: {  	[tilespmem:s1], [sflag:$0x2] =	stream.linear.gather [hbm4b:s2+s1], $0x40, $0x38;
	[tilespmem:$0x4710] =	vst v63  }
0x1a: {  	_ =	swait.ge [sflag:s17], $0x40  }
0x1b: {  	[sflag:s17] =	ssyncset.done $0x0  }
0x1c: {  	[sflag:s17] =	ssyncadd.s32 $0xFFFFFFC0  }
0x1d: {  	s3 =	rddreg [dreg:$0x2]  }
0x1e: {  	[tilespmem:s18], [sflag:$0x2] =	stream.linear.gather [hbm4b:s3+s1], $0x3E8, $0x38;
	[tilespmem:$0x4710] =	vst v63  }
0x1f: {  	_ =	swait.ge [sflag:s17], $0x3E8  }
0x20: {  	[sflag:s17] =	ssyncset.done $0x0  }
0x21: {  	[sflag:s17] =	ssyncadd.s32 $0xFFFFFC18  }
0x22: {  	[tilespmem:s19], [sflag:$0x2] =	stream.linear.gather [hbm4b:s4+s1], $0x3E8, $0x38;
	[tilespmem:$0x4710] =	vst v63  }
0x23: {  	_ =	swait.ge [sflag:s17], $0x3E8  }
0x24: {  	[sflag:s17] =	ssyncset.done $0x0  }
0x25: {  	[sflag:s17] =	ssyncadd.s32 $0xFFFFFC18  }
0x26: {  	v4 =	vld [tilespmem:$0x0];
	_ =	sdelay $0x3  }
0x27: {  	v5 =	vld [tilespmem:$0x10]  }
0x28: {  	v4 =	vadd.s32 $0x7FF, v4  }
0x29: {  	v7 =	vld [tilespmem:$0x20];
	v6 =	vshra.s32 v4, $0x1F  }
0x2a: {  	v8 =	vld [tilespmem:$0x30];
	v6 =	vshrl.u32 v6, $0x15  }
0x2b: {  	v6 =	vadd.s32 v6, v4  }
0x2c: {  	v5 =	vadd.s32 $0x7FF, v5;
	v6 =	vshrl.u32 v6, $0xB  }
0x2d: {  	v9 =	vshra.s32 v5, $0x1F;
	v6 =	vshll.u32 v6, $0xB  }
0x2e: {  	v7 =	vadd.s32 $0x7FF, v7;
	v4 =	vsub.s32 v4, v6;
	v6 =	vshrl.u32 v9, $0x15  }
0x2f: {  	v8 =	vadd.s32 $0x7FF, v8;
	v62 =	vshra.s32 v7, $0x1F;
	v6 =	vadd.s32 v6, v5  }
0x30: {  	v10 =	vshra.s32 v8, $0x1F;
	v9 =	vshrl.u32 v62, $0x15;
	v6 =	vshrl.u32 v6, $0xB  }
0x31: {  	v10 =	vshrl.u32 v10, $0x15;
	v9 =	vadd.s32 v9, v7;
	v6 =	vshll.u32 v6, $0xB  }
0x32: {  	v63 =	vadd.s32 v10, v8;
	v5 =	vsub.s32 v5, v6;
	v6 =	vshrl.u32 v9, $0xB  }
0x33: {  	v4 =	vadd.s32 v0, v4;
	v9 =	vshrl.u32 v63, $0xB;
	v6 =	vshll.u32 v6, $0xB  }
0x34: {  	[tilespmem:$0x40] =	vst v4;
	v5 =	vadd.s32 v1, v5;
	v4 =	vsub.s32 v7, v6;
	v6 =	vshll.u32 v9, $0xB  }
0x35: {  	[tilespmem:$0x50] =	vst v5;
	v4 =	vadd.s32 v2, v4;
	v5 =	vsub.s32 v8, v6  }
0x36: {  	[tilespmem:$0x60] =	vst v4;
	v4 =	vadd.s32 v3, v5  }
0x37: {  	[tilespmem:$0x70] =	vst v4  }
0x38: {  	[tilespmem:s21], [sflag:$0x1] =	stream.indirect.gather [hbm4b:s6+s20], $0x3E8, s7, s20, $0xb8;
	[tilespmem:$0x4710] =	vst v63  }
0x39: {  	_ =	swait.ge [sflag:s22], $0x1F40  }
0x3a: {  	[sflag:s22] =	ssyncset.done $0x0  }
0x3b: {  	s2 =	simm.s32 $0x0;
	[sflag:s22] =	ssyncadd.s32 $0xFFFFE0C0  }
0x3c: {  	v4 =	vld [tilespmem:s2+$0x80]  }
0x3d: {  	v5 =	vld [tilespmem:s2+$0x3F40];
	_ =	sdelay $0x1  }
0x3e: {  	v6 =	vld [tilespmem:s2+$0x4328]  }
0x3f: {  	s1 =	simm.s32 $0x40  }
.LBB2_3:
0x40: {  	s3 =	sshra.s32 s1, $0x2;
	p0 =	sne.s32 s1, $0xF40  }
.Ltmp1:
0x41: {  	s1 =	sadd.s32 $0x40, s1;
	v7 =	vmul.f32 v5, v4;
	v4 =	vld [tilespmem:s3+$0x80];
	(pc) =	sbr.rel @p0 .LBB2_3-.Ltmp1, $4  }
0x42: {  	v5 =	vld [tilespmem:s3+$0x3F40]  }
0x43: {  	v7 =	vadd.f32 v6, v7  }
0x44: {  	v6 =	vld [tilespmem:s3+$0x4328]  }
0x45: {  	[tilespmem:s2+$0x1FC0] =	vst v7;
	s2 =	smov.u32 s3  }
0x46: {  	_ = 	snop  }
0x47: {  	v4 =	vmul.f32 v5, v4;
	_ =	sdelay $0x1  }
0x48: {  	v4 =	vadd.f32 v6, v4;
	_ =	sdelay $0x1  }
0x49: {  	[tilespmem:s2+$0x1FC0] =	vst v4  }
0x4a: {  	v4 =	vld [tilespmem:$0x458]  }
0x4b: {  	v5 =	vld [tilespmem:$0x4318];
	_ =	sdelay $0x1  }
0x4c: {  	v6 =	vld [tilespmem:$0x4700];
	_ =	sdelay $0x2  }
0x4d: {  	v4 =	vmul.f32 v5, v4;
	_ =	sdelay $0x1  }
0x4e: {  	v4 =	vadd.f32 v6, v4;
	_ =	sdelay $0x1  }
0x4f: {  	s2 =	simm.s32 $0x0;
	[tilespmem:$0x2398] =	vst v4  }
0x50: {  	v4 =	vld [tilespmem:s2+$0x468]  }
0x51: {  	v5 =	vld [tilespmem:s2+$0x3F40];
	_ =	sdelay $0x1  }
0x52: {  	v6 =	vld [tilespmem:s2+$0x4328]  }
0x53: {  	s1 =	simm.s32 $0x40  }
.LBB2_5:
0x54: {  	s3 =	sshra.s32 s1, $0x2;
	p0 =	sne.s32 s1, $0xF40  }
.Ltmp2:
0x55: {  	s1 =	sadd.s32 $0x40, s1;
	v7 =	vmul.f32 v5, v4;
	v4 =	vld [tilespmem:s3+$0x468];
	(pc) =	sbr.rel @p0 .LBB2_5-.Ltmp2, $4  }
0x56: {  	v5 =	vld [tilespmem:s3+$0x3F40]  }
0x57: {  	v7 =	vadd.f32 v6, v7  }
0x58: {  	v6 =	vld [tilespmem:s3+$0x4328]  }
0x59: {  	[tilespmem:s2+$0x23B0] =	vst v7;
	s2 =	smov.u32 s3  }
0x5a: {  	_ = 	snop  }
0x5b: {  	v4 =	vmul.f32 v5, v4;
	_ =	sdelay $0x1  }
0x5c: {  	v4 =	vadd.f32 v6, v4;
	_ =	sdelay $0x1  }
0x5d: {  	[tilespmem:s2+$0x23B0] =	vst v4  }
0x5e: {  	v4 =	vld [tilespmem:$0x840]  }
0x5f: {  	v5 =	vld [tilespmem:$0x4318];
	_ =	sdelay $0x1  }
0x60: {  	v6 =	vld [tilespmem:$0x4700];
	_ =	sdelay $0x2  }
0x61: {  	v4 =	vmul.f32 v5, v4;
	_ =	sdelay $0x1  }
0x62: {  	v4 =	vadd.f32 v6, v4;
	_ =	sdelay $0x1  }
0x63: {  	s2 =	simm.s32 $0x0;
	[tilespmem:$0x2788] =	vst v4  }
0x64: {  	v4 =	vld [tilespmem:s2+$0x850]  }
0x65: {  	v5 =	vld [tilespmem:s2+$0x3F40];
	_ =	sdelay $0x1  }
0x66: {  	v6 =	vld [tilespmem:s2+$0x4328]  }
0x67: {  	s1 =	simm.s32 $0x40  }
.LBB2_7:
0x68: {  	s3 =	sshra.s32 s1, $0x2;
	p0 =	sne.s32 s1, $0xF40  }
.Ltmp3:
0x69: {  	s1 =	sadd.s32 $0x40, s1;
	v7 =	vmul.f32 v5, v4;
	v4 =	vld [tilespmem:s3+$0x850];
	(pc) =	sbr.rel @p0 .LBB2_7-.Ltmp3, $4  }
0x6a: {  	v5 =	vld [tilespmem:s3+$0x3F40]  }
0x6b: {  	v7 =	vadd.f32 v6, v7  }
0x6c: {  	v6 =	vld [tilespmem:s3+$0x4328]  }
0x6d: {  	[tilespmem:s2+$0x27A0] =	vst v7;
	s2 =	smov.u32 s3  }
0x6e: {  	_ = 	snop  }
0x6f: {  	v4 =	vmul.f32 v5, v4;
	_ =	sdelay $0x1  }
0x70: {  	v4 =	vadd.f32 v6, v4;
	_ =	sdelay $0x1  }
0x71: {  	[tilespmem:s2+$0x27A0] =	vst v4  }
0x72: {  	v4 =	vld [tilespmem:$0xC28]  }
0x73: {  	v5 =	vld [tilespmem:$0x4318];
	_ =	sdelay $0x1  }
0x74: {  	v6 =	vld [tilespmem:$0x4700];
	_ =	sdelay $0x2  }
0x75: {  	v4 =	vmul.f32 v5, v4;
	_ =	sdelay $0x1  }
0x76: {  	v4 =	vadd.f32 v6, v4;
	_ =	sdelay $0x1  }
0x77: {  	s2 =	simm.s32 $0x0;
	[tilespmem:$0x2B78] =	vst v4  }
0x78: {  	v4 =	vld [tilespmem:s2+$0xC38]  }
0x79: {  	v5 =	vld [tilespmem:s2+$0x3F40];
	_ =	sdelay $0x1  }
0x7a: {  	v6 =	vld [tilespmem:s2+$0x4328]  }
0x7b: {  	s1 =	simm.s32 $0x40  }
.LBB2_9:
0x7c: {  	s3 =	sshra.s32 s1, $0x2;
	p0 =	sne.s32 s1, $0xF40  }
.Ltmp4:
0x7d: {  	s1 =	sadd.s32 $0x40, s1;
	v7 =	vmul.f32 v5, v4;
	v4 =	vld [tilespmem:s3+$0xC38];
	(pc) =	sbr.rel @p0 .LBB2_9-.Ltmp4, $4  }
0x7e: {  	v5 =	vld [tilespmem:s3+$0x3F40]  }
0x7f: {  	v7 =	vadd.f32 v6, v7  }
0x80: {  	v6 =	vld [tilespmem:s3+$0x4328]  }
0x81: {  	[tilespmem:s2+$0x2B90] =	vst v7;
	s2 =	smov.u32 s3  }
0x82: {  	_ = 	snop  }
0x83: {  	v4 =	vmul.f32 v5, v4;
	_ =	sdelay $0x1  }
0x84: {  	v4 =	vadd.f32 v6, v4;
	_ =	sdelay $0x1  }
0x85: {  	[tilespmem:s2+$0x2B90] =	vst v4  }
0x86: {  	v4 =	vld [tilespmem:$0x1010]  }
0x87: {  	v5 =	vld [tilespmem:$0x4318];
	_ =	sdelay $0x1  }
0x88: {  	v6 =	vld [tilespmem:$0x4700];
	_ =	sdelay $0x2  }
0x89: {  	v4 =	vmul.f32 v5, v4;
	_ =	sdelay $0x1  }
0x8a: {  	v4 =	vadd.f32 v6, v4;
	_ =	sdelay $0x1  }
0x8b: {  	s2 =	simm.s32 $0x0;
	[tilespmem:$0x2F68] =	vst v4  }
0x8c: {  	v4 =	vld [tilespmem:s2+$0x1020]  }
0x8d: {  	v5 =	vld [tilespmem:s2+$0x3F40];
	_ =	sdelay $0x1  }
0x8e: {  	v6 =	vld [tilespmem:s2+$0x4328]  }
0x8f: {  	s1 =	simm.s32 $0x40  }
.LBB2_11:
0x90: {  	s3 =	sshra.s32 s1, $0x2;
	p0 =	sne.s32 s1, $0xF40  }
.Ltmp5:
0x91: {  	s1 =	sadd.s32 $0x40, s1;
	v7 =	vmul.f32 v5, v4;
	v4 =	vld [tilespmem:s3+$0x1020];
	(pc) =	sbr.rel @p0 .LBB2_11-.Ltmp5, $4  }
0x92: {  	v5 =	vld [tilespmem:s3+$0x3F40]  }
0x93: {  	v7 =	vadd.f32 v6, v7  }
0x94: {  	v6 =	vld [tilespmem:s3+$0x4328]  }
0x95: {  	[tilespmem:s2+$0x2F80] =	vst v7;
	s2 =	smov.u32 s3  }
0x96: {  	_ = 	snop  }
0x97: {  	v4 =	vmul.f32 v5, v4;
	_ =	sdelay $0x1  }
0x98: {  	v4 =	vadd.f32 v6, v4;
	_ =	sdelay $0x1  }
0x99: {  	[tilespmem:s2+$0x2F80] =	vst v4  }
0x9a: {  	v4 =	vld [tilespmem:$0x13F8]  }
0x9b: {  	v5 =	vld [tilespmem:$0x4318];
	_ =	sdelay $0x1  }
0x9c: {  	v6 =	vld [tilespmem:$0x4700];
	_ =	sdelay $0x2  }
0x9d: {  	v4 =	vmul.f32 v5, v4;
	_ =	sdelay $0x1  }
0x9e: {  	v4 =	vadd.f32 v6, v4;
	_ =	sdelay $0x1  }
0x9f: {  	s2 =	simm.s32 $0x0;
	[tilespmem:$0x3358] =	vst v4  }
0xa0: {  	v4 =	vld [tilespmem:s2+$0x1408]  }
0xa1: {  	v5 =	vld [tilespmem:s2+$0x3F40];
	_ =	sdelay $0x1  }
0xa2: {  	v6 =	vld [tilespmem:s2+$0x4328]  }
0xa3: {  	s1 =	simm.s32 $0x40  }
.LBB2_13:
0xa4: {  	s3 =	sshra.s32 s1, $0x2;
	p0 =	sne.s32 s1, $0xF40  }
.Ltmp6:
0xa5: {  	s1 =	sadd.s32 $0x40, s1;
	v7 =	vmul.f32 v5, v4;
	v4 =	vld [tilespmem:s3+$0x1408];
	(pc) =	sbr.rel @p0 .LBB2_13-.Ltmp6, $4  }
0xa6: {  	v5 =	vld [tilespmem:s3+$0x3F40]  }
0xa7: {  	v7 =	vadd.f32 v6, v7  }
0xa8: {  	v6 =	vld [tilespmem:s3+$0x4328]  }
0xa9: {  	[tilespmem:s2+$0x3370] =	vst v7;
	s2 =	smov.u32 s3  }
0xaa: {  	_ = 	snop  }
0xab: {  	v4 =	vmul.f32 v5, v4;
	_ =	sdelay $0x1  }
0xac: {  	v4 =	vadd.f32 v6, v4;
	_ =	sdelay $0x1  }
0xad: {  	[tilespmem:s2+$0x3370] =	vst v4  }
0xae: {  	v4 =	vld [tilespmem:$0x17E0]  }
0xaf: {  	v5 =	vld [tilespmem:$0x4318];
	_ =	sdelay $0x1  }
0xb0: {  	v6 =	vld [tilespmem:$0x4700];
	_ =	sdelay $0x2  }
0xb1: {  	v4 =	vmul.f32 v5, v4;
	_ =	sdelay $0x1  }
0xb2: {  	v4 =	vadd.f32 v6, v4;
	_ =	sdelay $0x1  }
0xb3: {  	s2 =	simm.s32 $0x0;
	[tilespmem:$0x3748] =	vst v4  }
0xb4: {  	v4 =	vld [tilespmem:s2+$0x17F0]  }
0xb5: {  	v5 =	vld [tilespmem:s2+$0x3F40];
	_ =	sdelay $0x1  }
0xb6: {  	v6 =	vld [tilespmem:s2+$0x4328]  }
0xb7: {  	s1 =	simm.s32 $0x40  }
.LBB2_15:
0xb8: {  	s3 =	sshra.s32 s1, $0x2;
	p0 =	sne.s32 s1, $0xF40  }
.Ltmp7:
0xb9: {  	s1 =	sadd.s32 $0x40, s1;
	v7 =	vmul.f32 v5, v4;
	v4 =	vld [tilespmem:s3+$0x17F0];
	(pc) =	sbr.rel @p0 .LBB2_15-.Ltmp7, $4  }
0xba: {  	v5 =	vld [tilespmem:s3+$0x3F40]  }
0xbb: {  	v7 =	vadd.f32 v6, v7  }
0xbc: {  	v6 =	vld [tilespmem:s3+$0x4328]  }
0xbd: {  	[tilespmem:s2+$0x3760] =	vst v7;
	s2 =	smov.u32 s3  }
0xbe: {  	_ = 	snop  }
0xbf: {  	v4 =	vmul.f32 v5, v4;
	_ =	sdelay $0x1  }
0xc0: {  	v4 =	vadd.f32 v6, v4;
	_ =	sdelay $0x1  }
0xc1: {  	[tilespmem:s2+$0x3760] =	vst v4  }
0xc2: {  	v4 =	vld [tilespmem:$0x1BC8]  }
0xc3: {  	v5 =	vld [tilespmem:$0x4318];
	_ =	sdelay $0x1  }
0xc4: {  	v6 =	vld [tilespmem:$0x4700];
	_ =	sdelay $0x2  }
0xc5: {  	v4 =	vmul.f32 v5, v4;
	_ =	sdelay $0x1  }
0xc6: {  	v4 =	vadd.f32 v6, v4;
	_ =	sdelay $0x1  }
0xc7: {  	s2 =	simm.s32 $0x0;
	[tilespmem:$0x3B38] =	vst v4  }
0xc8: {  	v4 =	vld [tilespmem:s2+$0x1BD8]  }
0xc9: {  	v5 =	vld [tilespmem:s2+$0x3F40];
	_ =	sdelay $0x1  }
0xca: {  	v6 =	vld [tilespmem:s2+$0x4328]  }
0xcb: {  	s1 =	simm.s32 $0x40  }
.LBB2_17:
0xcc: {  	s3 =	sshra.s32 s1, $0x2;
	p0 =	sne.s32 s1, $0xF40  }
.Ltmp8:
0xcd: {  	s1 =	sadd.s32 $0x40, s1;
	v7 =	vmul.f32 v5, v4;
	v4 =	vld [tilespmem:s3+$0x1BD8];
	(pc) =	sbr.rel @p0 .LBB2_17-.Ltmp8, $4  }
0xce: {  	v5 =	vld [tilespmem:s3+$0x3F40]  }
0xcf: {  	v7 =	vadd.f32 v6, v7  }
0xd0: {  	v6 =	vld [tilespmem:s3+$0x4328]  }
0xd1: {  	[tilespmem:s2+$0x3B50] =	vst v7;
	s2 =	smov.u32 s3  }
0xd2: {  	_ = 	snop  }
0xd3: {  	v4 =	vmul.f32 v5, v4;
	_ =	sdelay $0x1  }
0xd4: {  	v4 =	vadd.f32 v6, v4;
	_ =	sdelay $0x1  }
0xd5: {  	[tilespmem:s2+$0x3B50] =	vst v4  }
0xd6: {  	v4 =	vld [tilespmem:$0x1FB0]  }
0xd7: {  	v5 =	vld [tilespmem:$0x4318];
	_ =	sdelay $0x1  }
0xd8: {  	v63 =	vld [tilespmem:$0x4700];
	_ =	sdelay $0x2  }
0xd9: {  	v4 =	vmul.f32 v5, v4;
	_ =	sdelay $0x1  }
0xda: {  	v4 =	vadd.f32 v63, v4;
	_ =	sdelay $0x1  }
0xdb: {  	[tilespmem:$0x3F28] =	vst v4  }
0xdc: {  	[hbm4b:s8+s5] =	stream.linear.scatter [tilespmem:s23], [sflag:$0x2], $0x3E8, $0x38;
	[tilespmem:$0x4710] =	vst v63  }
0xdd: {  	_ =	swait.ge [sflag:s17], $0x3E8  }
0xde: {  	[sflag:s17] =	ssyncset.done $0x0  }
0xdf: {  	[sflag:s17] =	ssyncadd.s32 $0xFFFFFC18  }
0xe0: {  	[hbm4b:s9+s5] =	stream.linear.scatter [tilespmem:s24], [sflag:$0x2], $0x3E8, $0x38;
	[tilespmem:$0x4710] =	vst v63  }
0xe1: {  	_ =	swait.ge [sflag:s17], $0x3E8  }
0xe2: {  	[sflag:s17] =	ssyncset.done $0x0  }
0xe3: {  	[sflag:s17] =	ssyncadd.s32 $0xFFFFFC18  }
0xe4: {  	[hbm4b:s10+s5] =	stream.linear.scatter [tilespmem:s25], [sflag:$0x2], $0x3E8, $0x38;
	[tilespmem:$0x4710] =	vst v63  }
0xe5: {  	_ =	swait.ge [sflag:s17], $0x3E8  }
0xe6: {  	[sflag:s17] =	ssyncset.done $0x0  }
0xe7: {  	[sflag:s17] =	ssyncadd.s32 $0xFFFFFC18  }
0xe8: {  	[hbm4b:s11+s5] =	stream.linear.scatter [tilespmem:s26], [sflag:$0x2], $0x3E8, $0x38;
	[tilespmem:$0x4710] =	vst v63  }
0xe9: {  	_ =	swait.ge [sflag:s17], $0x3E8  }
0xea: {  	[sflag:s17] =	ssyncset.done $0x0  }
0xeb: {  	[sflag:s17] =	ssyncadd.s32 $0xFFFFFC18  }
0xec: {  	[hbm4b:s12+s5] =	stream.linear.scatter [tilespmem:s28], [sflag:$0x2], $0x3E8, $0x38;
	[tilespmem:$0x4710] =	vst v63  }
0xed: {  	_ =	swait.ge [sflag:s17], $0x3E8  }
0xee: {  	[sflag:s17] =	ssyncset.done $0x0  }
0xef: {  	[sflag:s17] =	ssyncadd.s32 $0xFFFFFC18  }
0xf0: {  	[hbm4b:s13+s5] =	stream.linear.scatter [tilespmem:s29], [sflag:$0x2], $0x3E8, $0x38;
	[tilespmem:$0x4710] =	vst v63  }
0xf1: {  	_ =	swait.ge [sflag:s17], $0x3E8  }
0xf2: {  	[sflag:s17] =	ssyncset.done $0x0  }
0xf3: {  	[sflag:s17] =	ssyncadd.s32 $0xFFFFFC18  }
0xf4: {  	[hbm4b:s14+s5] =	stream.linear.scatter [tilespmem:s30], [sflag:$0x2], $0x3E8, $0x38;
	[tilespmem:$0x4710] =	vst v63  }
0xf5: {  	s0 =	sadd.s32 $0x1, s0;
	_ =	swait.ge [sflag:s17], $0x3E8  }
0xf6: {  	p0 =	sne.s32 s0, s16;
	[sflag:s17] =	ssyncset.done $0x0  }
.Ltmp9:
0xf7: {  	[sflag:s17] =	ssyncadd.s32 $0xFFFFFC18;
	(pc) =	sbr.rel @p0 .LBB2_2-.Ltmp9, $4  }
0xf8: {  	[hbm4b:s15+s5] =	stream.linear.scatter [tilespmem:s31], [sflag:$0x2], $0x3E8, $0x38;
	[tilespmem:$0x4710] =	vst v63  }
0xf9: {  	_ =	swait.ge [sflag:s17], $0x3E8  }
0xfa: {  	[sflag:s17] =	ssyncset.done $0x0  }
0xfb: {  	[sflag:s17] =	ssyncadd.s32 $0xFFFFFC18  }
.LBB2_19:
0xfc: {  	_ =	sfence.sel $0x180000  }
0xfd: {  	[bflag:$0x0] =	sbarrier.arrive $0xFFFF  }
0xfe: {  	_ =	strace $0x90000047  }
0xff: {  	s0 =	stileid.u32;
	[bflag:$0x2] =	sbarrier.arrive $0xFFFF  }
0x100: {  	p0 =	sne.s32 s0, $0x0;
	s0 =	rddreg [dreg:$0x4]  }
0x101: {  	s0 =	sadd.s32 @!p0 $0x100000, s0  }
0x102: {  	[sflag:s0] =	ssyncadd.tile.s32 @!p0 $0x1;
	_ =	shalt  }
.Lfunc_end2:
_tile_overlayer_lowered:
.L_overlay_start_2:
0x103: {  	(tag) =	ssettag $0x2  }
0x104: {  	s0 =	rddreg [dreg:$0x0];
	s2 =	stileid.u32  }
0x105: {  	s1 =	rddreg [dreg:$0x1];
	p0 =	sne.s32 s2, $0x0  }
0x106: {  	s3 =	rddreg [dreg:$0x2];
	[bflag:$0x3] =	sbarrier.arrive $0xFFFF;
	s2 =	simm.s32 @!p0 $0x1C02  }
0x107: {  	[timem:s3], [sflag:s2] =	dma.local @!p0 [hbm:s0], s1  }
0x108: {  	s0 =	simm.s32 @!p0 $0x2  }
0x109: {  	_ =	swait.ge @!p0 [sflag:s0], s1  }
0x10a: {  	s1 =	ssub.s32 @!p0 $0x0, s1;
	[sflag:s0] =	ssyncset.done @!p0 $0x0  }
0x10b: {  	[sflag:s0] =	ssyncadd.s32 @!p0 s1  }
0x10c: {  	[bflag:$0x3] =	sbarrier.arrive $0xFFFF  }
0x10d: {  	_ =	shalt  }

</sc_bundles>
